<compile_context>
chip_gen: v7x
topology: tpu7x:2x2x1
jax: 0.10.2.dev20260603
libtpu: 0.0.44.dev20260713+nightly
codegen_flags: <defaults>
</compile_context>

<pallas_src>
import jax
import jax.numpy as jnp
from jax import lax
from jax.experimental import pallas as pl
from jax.experimental.pallas import tpu as pltpu
from jax.experimental.pallas import tpu_sc as plsc

_NC = 2
_NS = 16
_NW = _NC * _NS
_L = 16

_B = 16384
_D = 128
_ROW = 2 * _D
_NU = _D // _L
_BPW = _B // _NW
_C = 32
_NCHUNK = _BPW // _C


def _sqrt16(x):
    i = plsc.bitcast(x, jnp.int32)
    i = 0x5F3759DF - (i >> 1)
    return x * plsc.bitcast(i, jnp.float32)


def _sc_body(ent_ref, rel_ref, data_ref, out_ref,
             ebuf, relbuf, dbuf, accv, sems, semr):
    cid = lax.axis_index("c")
    sid = lax.axis_index("s")
    wid = sid * _NC + cid
    base = wid * _BPW

    pltpu.sync_copy(data_ref.at[:, pl.ds(base, _BPW)], dbuf)
    hidx_v, tidx_v, ridx_v, nhidx_v, ntidx_v = (dbuf.at[k] for k in range(5))
    idxs = (hidx_v, tidx_v, nhidx_v, ntidx_v)

    rel_cp = pltpu.async_copy(rel_ref.at[ridx_v], relbuf, semr)

    def issue(c):
        par = lax.rem(c, 2)
        for t, iv in enumerate(idxs):
            dst = ebuf.at[pl.ds((4 * par + t) * _C, _C)]
            pltpu.make_async_copy(ent_ref.at[iv.at[pl.ds(c * _C, _C)]], dst,
                                  sems.at[par]).start()

    def drain(c):
        par = lax.rem(c, 2)
        for t, iv in enumerate(idxs):
            dst = ebuf.at[pl.ds((4 * par + t) * _C, _C)]
            pltpu.make_async_copy(ent_ref.at[iv.at[pl.ds(c * _C, _C)]], dst,
                                  sems.at[par]).wait()

    issue(0)
    rel_cp.wait()
    acc0 = tuple(jnp.zeros((_L,), jnp.float32) for _ in range(2 * _NU))

    def chunk_body(c, accs):
        @pl.when(c < _NCHUNK - 1)
        def _():
            issue(c + 1)

        drain(c)
        row0 = lax.rem(c, 2) * (4 * _C)
        cb = c * _C

        def triple_body(i, accs):
            accs = list(accs)
            g = cb + i
            grows = jnp.full((_L,), g, jnp.int32)
            r = plsc.load_gather(relbuf, [grows])
            r2 = r * r
            sinr = r * (1.0 + r2 * (-1.0 / 6.0 + r2 * (1.0 / 120.0)))
            cosr = 1.0 + r2 * (-0.5 + r2 * (1.0 / 24.0
                        + r2 * (-1.0 / 720.0)))
            for s, o in ((0, 0), (1, _NU)):
                hrow = row0 + 2 * s * _C + i
                trow = hrow + _C
                for j in range(_NU):
                    hr = ebuf[hrow, pl.ds(j * _L, _L)]
                    hi = ebuf[hrow, pl.ds(_D + j * _L, _L)]
                    tr = ebuf[trow, pl.ds(j * _L, _L)]
                    ti = ebuf[trow, pl.ds(_D + j * _L, _L)]
                    dre = hr * cosr - hi * sinr - tr
                    dim = hr * sinr + hi * cosr - ti
                    ab = _sqrt16(dre * dre + dim * dim)
                    accs[o + j] = accs[o + j] + ab
            return tuple(accs)

        return lax.fori_loop(0, _C, triple_body, accs)

    accs = lax.fori_loop(0, _NCHUNK, chunk_body, acc0)

    for j in range(2 * _NU):
        accv[pl.ds((j % _NU) * _L + (j // _NU) * _D, _L)] = accs[j]
    pltpu.sync_copy(accv.at[pl.ds(0, _D)], out_ref.at[wid])
    pltpu.sync_copy(accv.at[pl.ds(_D, _D)], out_ref.at[_NW + wid])


def _sc_partials(entT, relp, dataT):
    mesh = plsc.VectorSubcoreMesh(core_axis_name="c", subcore_axis_name="s")
    f = pl.kernel(
        _sc_body,
        out_type=jax.ShapeDtypeStruct((2 * _NW, _D), jnp.float32),
        mesh=mesh,
        compiler_params=pltpu.CompilerParams(
            needs_layout_passes=False, use_tc_tiling_on_sc=False),
        scratch_types=[
            pltpu.VMEM((8 * _C, _ROW), jnp.float32),
            pltpu.VMEM((_BPW,), jnp.float32),
            pltpu.VMEM((5, _BPW), jnp.int32),
            pltpu.VMEM((2 * _D,), jnp.float32),
            pltpu.SemaphoreType.DMA((2,)),
            pltpu.SemaphoreType.DMA,
        ],
    )
    return f(entT, relp, dataT)


def _tc_reduce_body(x_ref, p_ref, n_ref):
    x = x_ref[...]
    sp = jnp.sum(x[:_NW], axis=0)
    sn = jnp.sum(x[_NW:], axis=0)
    p_ref[...] = jnp.full((1, 1), jax.nn.sigmoid(-jnp.max(sp)))
    n_ref[...] = jnp.full((1, 1), jax.nn.sigmoid(-jnp.max(sn)))


def kernel(entities, relations, data):
    entT = entities.transpose(0, 2, 1).reshape(entities.shape[0], _ROW)
    relp = relations[:, 0]
    dataT = data.T
    partials = _sc_partials(entT, relp, dataT)
    ps2, ns2 = pl.pallas_call(
        _tc_reduce_body,
        out_shape=(jax.ShapeDtypeStruct((1, 1), jnp.float32),
                   jax.ShapeDtypeStruct((1, 1), jnp.float32)),
    )(partials)
    ps = ps2.reshape(())
    ns = ns2.reshape(())
    t = jnp.full((data.shape[0], 1), -1.0, dtype=jnp.float32)
    return (ps, ns, t)

# --- scband reference (transcript-rebuilt; emitter-appended) ---
"""Pipeline reference for scband-rotate-complex-14190571946313 (READ-ONLY COPY).

The authoritative reference and input builder live on the scoring server;
editing this copy changes nothing except your own understanding.
"""

import jax, jax.numpy as jnp
import numpy as np

N_ENT = 100000
N_REL = 100000
DIMS = 128
B = 16384


def setup_inputs(seed: int = 0) -> dict:
    key = jax.random.key(seed)
    k1, k2, k3 = jax.random.split(key, 3)
    bound = 6.0 / np.sqrt(DIMS)
    entities = jax.random.uniform(k1, (N_ENT, DIMS, 2), minval=-bound, maxval=bound, dtype=jnp.float32)
    relations = jax.random.uniform(k2, (N_REL, 1), minval=-bound, maxval=bound, dtype=jnp.float32)
    data = jax.random.randint(k3, (B, 5), 0, N_ENT, dtype=jnp.int32)
    return {"entities": entities, "relations": relations, "data": data}


def _distance(h, r, t):
    # h, t: [B, dims, 2] real/imag pairs; r: [B, 1] angle.
    # torch: th = view_as_complex(h); tr = polar(1, r); tt = view_as_complex(t)
    # diff = th * tr - tt (complex [B, dims])
    cos_r = jnp.cos(r)
    sin_r = jnp.sin(r)
    h_re = h[..., 0]
    h_im = h[..., 1]
    t_re = t[..., 0]
    t_im = t[..., 1]
    d_re = h_re * cos_r - h_im * sin_r - t_re
    d_im = h_re * sin_r + h_im * cos_r - t_im
    absval = jnp.sqrt(d_re * d_re + d_im * d_im)  # [B, dims]
    # torch.linalg.norm(2D complex, ord=1) = matrix 1-norm = max over columns of sum of abs
    return -jnp.max(jnp.sum(absval, axis=0))


def reference(entities, relations, data):
    head = entities[data[:, 0]]
    tail = entities[data[:, 1]]
    pred = relations[data[:, 2]]
    c_head = entities[data[:, 3]]
    c_tail = entities[data[:, 4]]
    ps = jax.nn.sigmoid(_distance(head, pred, tail))
    ns = jax.nn.sigmoid(_distance(c_head, pred, c_tail))
    t = -jnp.ones((data.shape[0], 1), dtype=jnp.float32)
    return (ps, ns, t)

if __name__ == "__main__":
    import jax
    _d = setup_inputs()
    print(jax.jit(kernel)(*tuple(_d.values())))

</pallas_src>

<mosaic_0001>
#map = affine_map<(d0, d1) -> (0, 0)>
#map1 = affine_map<(d0, d1) -> (0)>
module attributes {stable_mosaic.version = 14 : i64} {
  func.func @_sc_body(%arg0: i32, %arg1: i32, %arg2: memref<100000x256xf32, #tpu.memory_space<hbm>>, %arg3: memref<100000xf32, #tpu.memory_space<hbm>>, %arg4: memref<5x16384xi32, #tpu.memory_space<hbm>>, %arg5: memref<64x128xf32, #tpu.memory_space<hbm>>, %arg6: memref<256x256xf32, #tpu.memory_space<vmem>>, %arg7: memref<512xf32, #tpu.memory_space<vmem>>, %arg8: memref<5x512xi32, #tpu.memory_space<vmem>>, %arg9: memref<256xf32, #tpu.memory_space<vmem>>, %arg10: memref<2x!tpu.dma_semaphore, #tpu.memory_space<semaphore_mem>>, %arg11: memref<!tpu.dma_semaphore, #tpu.memory_space<semaphore_mem>>) attributes {dimension_semantics = [#tpu.dimension_semantics<core_parallel>, #tpu.dimension_semantics<subcore_parallel>], iteration_bounds = array<i64: 2, 16>, scalar_prefetch = 0 : i64, scratch_operands = 6 : i64, tpu.core_type = #tpu.core_type<sc_vector_subcore>, window_params = [{transform_indices = #map}, {transform_indices = #map1}, {transform_indices = #map}, {transform_indices = #map}]} {
    %mul3A = arith.constant 2 : i32
    %mul3A_0 = arith.muli %arg1, %mul3A : i32
    %add3A = arith.addi %mul3A_0, %arg0 : i32
    %mul3A_1 = arith.constant 512 : i32
    %mul3A_2 = arith.muli %add3A, %mul3A_1 : i32
    "tpu.region"() ({
      %run_scoped3A = tpu.sem_alloc : memref<!tpu.dma_semaphore, #tpu.memory_space<semaphore_mem>>
      %dma_start3A_164 = arith.constant 0 : i32
      %dma_start3A_165 = tpu.memref_slice %arg4[%dma_start3A_164, %mul3A_2] : memref<5x16384xi32, #tpu.memory_space<hbm>> -> memref<5x512xi32, #tpu.memory_space<hbm>>
      %dma_start3A_166 = arith.constant 0 : i32
      %dma_start3A_167 = tpu.memref_slice %arg4[%dma_start3A_166, %mul3A_2] : memref<5x16384xi32, #tpu.memory_space<hbm>> -> memref<5x512xi32, #tpu.memory_space<hbm>>
      tpu.enqueue_dma source(%dma_start3A_167 : memref<5x512xi32, #tpu.memory_space<hbm>>) target(%arg8 : memref<5x512xi32, #tpu.memory_space<vmem>>) target_semaphore(%run_scoped3A : memref<!tpu.dma_semaphore, #tpu.memory_space<semaphore_mem>>)
      %dma_wait3A_168 = arith.constant 0 : i32
      %dma_wait3A_169 = tpu.memref_slice %arg4[%dma_wait3A_168, %mul3A_2] : memref<5x16384xi32, #tpu.memory_space<hbm>> -> memref<5x512xi32, #tpu.memory_space<hbm>>
      %dma_wait3A_170 = arith.constant 0 : i32
      %dma_wait3A_171 = tpu.memref_slice %arg4[%dma_wait3A_170, %mul3A_2] : memref<5x16384xi32, #tpu.memory_space<hbm>> -> memref<5x512xi32, #tpu.memory_space<hbm>>
      tpu.wait_dma2 semaphore(%run_scoped3A : memref<!tpu.dma_semaphore, #tpu.memory_space<semaphore_mem>>) src(%dma_wait3A_171 : memref<5x512xi32, #tpu.memory_space<hbm>>) dst(%arg8 : memref<5x512xi32, #tpu.memory_space<vmem>>)
      tpu.yield
    }) : () -> ()
    %dma_start3A = arith.constant 2 : i32
    %dma_start3A_3 = arith.constant 0 : i32
    %dma_start3A_4 = tpu.memref_slice %arg8[%dma_start3A, %dma_start3A_3] : memref<5x512xi32, #tpu.memory_space<vmem>> -> memref<1x512xi32, #tpu.memory_space<vmem>>
    %dma_start3A_5 = tpu.memref_squeeze %dma_start3A_4 : memref<1x512xi32, #tpu.memory_space<vmem>> -> memref<512xi32, #tpu.memory_space<vmem>>
    %dma_start3A_6 = arith.constant 0 : i32
    %dma_start3A_7 = tpu.memref_slice %arg3[%dma_start3A_6] : memref<100000xf32, #tpu.memory_space<hbm>> -> memref<100000xf32, #tpu.memory_space<hbm>>
    tpu.enqueue_indirect_dma source(%dma_start3A_7 : memref<100000xf32, #tpu.memory_space<hbm>>) target(%arg7 : memref<512xf32, #tpu.memory_space<vmem>>) offsets(%dma_start3A_5 : memref<512xi32, #tpu.memory_space<vmem>>) semaphore(%arg11 : memref<!tpu.dma_semaphore, #tpu.memory_space<semaphore_mem>>)
    %rem3A = arith.constant 0 : i32
    %rem3A_8 = arith.constant 2 : i32
    %rem3A_9 = arith.remsi %rem3A, %rem3A_8 : i32
    %mul3A_10 = arith.constant 4 : i32
    %mul3A_11 = arith.muli %mul3A_10, %rem3A_9 : i32
    %add3A_12 = arith.constant 0 : i32
    %add3A_13 = arith.addi %mul3A_11, %add3A_12 : i32
    %mul3A_14 = arith.constant 32 : i32
    %mul3A_15 = arith.muli %add3A_13, %mul3A_14 : i32
    %dma_start3A_16 = arith.constant 0 : i32
    %dma_start3A_17 = arith.constant 0 : i32
    %dma_start3A_18 = tpu.memref_slice %arg6[%mul3A_15, %dma_start3A_17] : memref<256x256xf32, #tpu.memory_space<vmem>> -> memref<32x256xf32, #tpu.memory_space<vmem>>
    %dma_start3A_19 = arith.constant 0 : i32
    %dma_start3A_20 = tpu.memref_slice %arg8[%dma_start3A_16, %dma_start3A_19] : memref<5x512xi32, #tpu.memory_space<vmem>> -> memref<1x512xi32, #tpu.memory_space<vmem>>
    %dma_start3A_21 = tpu.memref_squeeze %dma_start3A_20 : memref<1x512xi32, #tpu.memory_space<vmem>> -> memref<512xi32, #tpu.memory_space<vmem>>
    %dma_start3A_22 = arith.constant 0 : i32
    %dma_start3A_23 = tpu.memref_slice %dma_start3A_21[%dma_start3A_22] : memref<512xi32, #tpu.memory_space<vmem>> -> memref<32xi32, #tpu.memory_space<vmem>>
    %dma_start3A_24 = arith.constant 0 : i32
    %dma_start3A_25 = arith.constant 0 : i32
    %dma_start3A_26 = tpu.memref_slice %arg2[%dma_start3A_24, %dma_start3A_25] : memref<100000x256xf32, #tpu.memory_space<hbm>> -> memref<100000x256xf32, #tpu.memory_space<hbm>>
    %dma_start3A_27 = tpu.memref_slice %arg10[%rem3A_9] : memref<2x!tpu.dma_semaphore, #tpu.memory_space<semaphore_mem>> -> memref<1x!tpu.dma_semaphore, #tpu.memory_space<semaphore_mem>>
    %dma_start3A_28 = tpu.memref_squeeze %dma_start3A_27 : memref<1x!tpu.dma_semaphore, #tpu.memory_space<semaphore_mem>> -> memref<!tpu.dma_semaphore, #tpu.memory_space<semaphore_mem>>
    tpu.enqueue_indirect_dma source(%dma_start3A_26 : memref<100000x256xf32, #tpu.memory_space<hbm>>) target(%dma_start3A_18 : memref<32x256xf32, #tpu.memory_space<vmem>>) offsets(%dma_start3A_23 : memref<32xi32, #tpu.memory_space<vmem>>) semaphore(%dma_start3A_28 : memref<!tpu.dma_semaphore, #tpu.memory_space<semaphore_mem>>)
    %mul3A_29 = arith.constant 4 : i32
    %mul3A_30 = arith.muli %mul3A_29, %rem3A_9 : i32
    %add3A_31 = arith.constant 1 : i32
    %add3A_32 = arith.addi %mul3A_30, %add3A_31 : i32
    %mul3A_33 = arith.constant 32 : i32
    %mul3A_34 = arith.muli %add3A_32, %mul3A_33 : i32
    %dma_start3A_35 = arith.constant 1 : i32
    %dma_start3A_36 = arith.constant 0 : i32
    %dma_start3A_37 = tpu.memref_slice %arg6[%mul3A_34, %dma_start3A_36] : memref<256x256xf32, #tpu.memory_space<vmem>> -> memref<32x256xf32, #tpu.memory_space<vmem>>
    %dma_start3A_38 = arith.constant 0 : i32
    %dma_start3A_39 = tpu.memref_slice %arg8[%dma_start3A_35, %dma_start3A_38] : memref<5x512xi32, #tpu.memory_space<vmem>> -> memref<1x512xi32, #tpu.memory_space<vmem>>
    %dma_start3A_40 = tpu.memref_squeeze %dma_start3A_39 : memref<1x512xi32, #tpu.memory_space<vmem>> -> memref<512xi32, #tpu.memory_space<vmem>>
    %dma_start3A_41 = arith.constant 0 : i32
    %dma_start3A_42 = tpu.memref_slice %dma_start3A_40[%dma_start3A_41] : memref<512xi32, #tpu.memory_space<vmem>> -> memref<32xi32, #tpu.memory_space<vmem>>
    %dma_start3A_43 = arith.constant 0 : i32
    %dma_start3A_44 = arith.constant 0 : i32
    %dma_start3A_45 = tpu.memref_slice %arg2[%dma_start3A_43, %dma_start3A_44] : memref<100000x256xf32, #tpu.memory_space<hbm>> -> memref<100000x256xf32, #tpu.memory_space<hbm>>
    %dma_start3A_46 = tpu.memref_slice %arg10[%rem3A_9] : memref<2x!tpu.dma_semaphore, #tpu.memory_space<semaphore_mem>> -> memref<1x!tpu.dma_semaphore, #tpu.memory_space<semaphore_mem>>
    %dma_start3A_47 = tpu.memref_squeeze %dma_start3A_46 : memref<1x!tpu.dma_semaphore, #tpu.memory_space<semaphore_mem>> -> memref<!tpu.dma_semaphore, #tpu.memory_space<semaphore_mem>>
    tpu.enqueue_indirect_dma source(%dma_start3A_45 : memref<100000x256xf32, #tpu.memory_space<hbm>>) target(%dma_start3A_37 : memref<32x256xf32, #tpu.memory_space<vmem>>) offsets(%dma_start3A_42 : memref<32xi32, #tpu.memory_space<vmem>>) semaphore(%dma_start3A_47 : memref<!tpu.dma_semaphore, #tpu.memory_space<semaphore_mem>>)
    %mul3A_48 = arith.constant 4 : i32
    %mul3A_49 = arith.muli %mul3A_48, %rem3A_9 : i32
    %add3A_50 = arith.constant 2 : i32
    %add3A_51 = arith.addi %mul3A_49, %add3A_50 : i32
    %mul3A_52 = arith.constant 32 : i32
    %mul3A_53 = arith.muli %add3A_51, %mul3A_52 : i32
    %dma_start3A_54 = arith.constant 3 : i32
    %dma_start3A_55 = arith.constant 0 : i32
    %dma_start3A_56 = tpu.memref_slice %arg6[%mul3A_53, %dma_start3A_55] : memref<256x256xf32, #tpu.memory_space<vmem>> -> memref<32x256xf32, #tpu.memory_space<vmem>>
    %dma_start3A_57 = arith.constant 0 : i32
    %dma_start3A_58 = tpu.memref_slice %arg8[%dma_start3A_54, %dma_start3A_57] : memref<5x512xi32, #tpu.memory_space<vmem>> -> memref<1x512xi32, #tpu.memory_space<vmem>>
    %dma_start3A_59 = tpu.memref_squeeze %dma_start3A_58 : memref<1x512xi32, #tpu.memory_space<vmem>> -> memref<512xi32, #tpu.memory_space<vmem>>
    %dma_start3A_60 = arith.constant 0 : i32
    %dma_start3A_61 = tpu.memref_slice %dma_start3A_59[%dma_start3A_60] : memref<512xi32, #tpu.memory_space<vmem>> -> memref<32xi32, #tpu.memory_space<vmem>>
    %dma_start3A_62 = arith.constant 0 : i32
    %dma_start3A_63 = arith.constant 0 : i32
    %dma_start3A_64 = tpu.memref_slice %arg2[%dma_start3A_62, %dma_start3A_63] : memref<100000x256xf32, #tpu.memory_space<hbm>> -> memref<100000x256xf32, #tpu.memory_space<hbm>>
    %dma_start3A_65 = tpu.memref_slice %arg10[%rem3A_9] : memref<2x!tpu.dma_semaphore, #tpu.memory_space<semaphore_mem>> -> memref<1x!tpu.dma_semaphore, #tpu.memory_space<semaphore_mem>>
    %dma_start3A_66 = tpu.memref_squeeze %dma_start3A_65 : memref<1x!tpu.dma_semaphore, #tpu.memory_space<semaphore_mem>> -> memref<!tpu.dma_semaphore, #tpu.memory_space<semaphore_mem>>
    tpu.enqueue_indirect_dma source(%dma_start3A_64 : memref<100000x256xf32, #tpu.memory_space<hbm>>) target(%dma_start3A_56 : memref<32x256xf32, #tpu.memory_space<vmem>>) offsets(%dma_start3A_61 : memref<32xi32, #tpu.memory_space<vmem>>) semaphore(%dma_start3A_66 : memref<!tpu.dma_semaphore, #tpu.memory_space<semaphore_mem>>)
    %mul3A_67 = arith.constant 4 : i32
    %mul3A_68 = arith.muli %mul3A_67, %rem3A_9 : i32
    %add3A_69 = arith.constant 3 : i32
    %add3A_70 = arith.addi %mul3A_68, %add3A_69 : i32
    %mul3A_71 = arith.constant 32 : i32
    %mul3A_72 = arith.muli %add3A_70, %mul3A_71 : i32
    %dma_start3A_73 = arith.constant 4 : i32
    %dma_start3A_74 = arith.constant 0 : i32
    %dma_start3A_75 = tpu.memref_slice %arg6[%mul3A_72, %dma_start3A_74] : memref<256x256xf32, #tpu.memory_space<vmem>> -> memref<32x256xf32, #tpu.memory_space<vmem>>
    %dma_start3A_76 = arith.constant 0 : i32
    %dma_start3A_77 = tpu.memref_slice %arg8[%dma_start3A_73, %dma_start3A_76] : memref<5x512xi32, #tpu.memory_space<vmem>> -> memref<1x512xi32, #tpu.memory_space<vmem>>
    %dma_start3A_78 = tpu.memref_squeeze %dma_start3A_77 : memref<1x512xi32, #tpu.memory_space<vmem>> -> memref<512xi32, #tpu.memory_space<vmem>>
    %dma_start3A_79 = arith.constant 0 : i32
    %dma_start3A_80 = tpu.memref_slice %dma_start3A_78[%dma_start3A_79] : memref<512xi32, #tpu.memory_space<vmem>> -> memref<32xi32, #tpu.memory_space<vmem>>
    %dma_start3A_81 = arith.constant 0 : i32
    %dma_start3A_82 = arith.constant 0 : i32
    %dma_start3A_83 = tpu.memref_slice %arg2[%dma_start3A_81, %dma_start3A_82] : memref<100000x256xf32, #tpu.memory_space<hbm>> -> memref<100000x256xf32, #tpu.memory_space<hbm>>
    %dma_start3A_84 = tpu.memref_slice %arg10[%rem3A_9] : memref<2x!tpu.dma_semaphore, #tpu.memory_space<semaphore_mem>> -> memref<1x!tpu.dma_semaphore, #tpu.memory_space<semaphore_mem>>
    %dma_start3A_85 = tpu.memref_squeeze %dma_start3A_84 : memref<1x!tpu.dma_semaphore, #tpu.memory_space<semaphore_mem>> -> memref<!tpu.dma_semaphore, #tpu.memory_space<semaphore_mem>>
    tpu.enqueue_indirect_dma source(%dma_start3A_83 : memref<100000x256xf32, #tpu.memory_space<hbm>>) target(%dma_start3A_75 : memref<32x256xf32, #tpu.memory_space<vmem>>) offsets(%dma_start3A_80 : memref<32xi32, #tpu.memory_space<vmem>>) semaphore(%dma_start3A_85 : memref<!tpu.dma_semaphore, #tpu.memory_space<semaphore_mem>>)
    %dma_wait3A = arith.constant 2 : i32
    %dma_wait3A_86 = arith.constant 0 : i32
    %dma_wait3A_87 = tpu.memref_slice %arg8[%dma_wait3A, %dma_wait3A_86] : memref<5x512xi32, #tpu.memory_space<vmem>> -> memref<1x512xi32, #tpu.memory_space<vmem>>
    %dma_wait3A_88 = tpu.memref_squeeze %dma_wait3A_87 : memref<1x512xi32, #tpu.memory_space<vmem>> -> memref<512xi32, #tpu.memory_space<vmem>>
    %dma_wait3A_89 = arith.constant 0 : i32
    %dma_wait3A_90 = tpu.memref_slice %arg3[%dma_wait3A_89] : memref<100000xf32, #tpu.memory_space<hbm>> -> memref<100000xf32, #tpu.memory_space<hbm>>
    tpu.wait_indirect_dma semaphore(%arg11 : memref<!tpu.dma_semaphore, #tpu.memory_space<semaphore_mem>>) src(%dma_wait3A_90 : memref<100000xf32, #tpu.memory_space<hbm>>) dst(%arg7 : memref<512xf32, #tpu.memory_space<vmem>>)
    %broadcast_in_dim3A = arith.constant 0.000000e+00 : f32
    %broadcast_in_dim3A_91 = vector.broadcast %broadcast_in_dim3A : f32 to vector<16xf32>
    %broadcast_in_dim3A_92 = arith.constant 0.000000e+00 : f32
    %broadcast_in_dim3A_93 = vector.broadcast %broadcast_in_dim3A_92 : f32 to vector<16xf32>
    %broadcast_in_dim3A_94 = arith.constant 0.000000e+00 : f32
    %broadcast_in_dim3A_95 = vector.broadcast %broadcast_in_dim3A_94 : f32 to vector<16xf32>
    %broadcast_in_dim3A_96 = arith.constant 0.000000e+00 : f32
    %broadcast_in_dim3A_97 = vector.broadcast %broadcast_in_dim3A_96 : f32 to vector<16xf32>
    %broadcast_in_dim3A_98 = arith.constant 0.000000e+00 : f32
    %broadcast_in_dim3A_99 = vector.broadcast %broadcast_in_dim3A_98 : f32 to vector<16xf32>
    %broadcast_in_dim3A_100 = arith.constant 0.000000e+00 : f32
    %broadcast_in_dim3A_101 = vector.broadcast %broadcast_in_dim3A_100 : f32 to vector<16xf32>
    %broadcast_in_dim3A_102 = arith.constant 0.000000e+00 : f32
    %broadcast_in_dim3A_103 = vector.broadcast %broadcast_in_dim3A_102 : f32 to vector<16xf32>
    %broadcast_in_dim3A_104 = arith.constant 0.000000e+00 : f32
    %broadcast_in_dim3A_105 = vector.broadcast %broadcast_in_dim3A_104 : f32 to vector<16xf32>
    %broadcast_in_dim3A_106 = arith.constant 0.000000e+00 : f32
    %broadcast_in_dim3A_107 = vector.broadcast %broadcast_in_dim3A_106 : f32 to vector<16xf32>
    %broadcast_in_dim3A_108 = arith.constant 0.000000e+00 : f32
    %broadcast_in_dim3A_109 = vector.broadcast %broadcast_in_dim3A_108 : f32 to vector<16xf32>
    %broadcast_in_dim3A_110 = arith.constant 0.000000e+00 : f32
    %broadcast_in_dim3A_111 = vector.broadcast %broadcast_in_dim3A_110 : f32 to vector<16xf32>
    %broadcast_in_dim3A_112 = arith.constant 0.000000e+00 : f32
    %broadcast_in_dim3A_113 = vector.broadcast %broadcast_in_dim3A_112 : f32 to vector<16xf32>
    %broadcast_in_dim3A_114 = arith.constant 0.000000e+00 : f32
    %broadcast_in_dim3A_115 = vector.broadcast %broadcast_in_dim3A_114 : f32 to vector<16xf32>
    %broadcast_in_dim3A_116 = arith.constant 0.000000e+00 : f32
    %broadcast_in_dim3A_117 = vector.broadcast %broadcast_in_dim3A_116 : f32 to vector<16xf32>
    %broadcast_in_dim3A_118 = arith.constant 0.000000e+00 : f32
    %broadcast_in_dim3A_119 = vector.broadcast %broadcast_in_dim3A_118 : f32 to vector<16xf32>
    %broadcast_in_dim3A_120 = arith.constant 0.000000e+00 : f32
    %broadcast_in_dim3A_121 = vector.broadcast %broadcast_in_dim3A_120 : f32 to vector<16xf32>
    %scan3A = arith.constant 0 : i32
    %scan3A_122 = arith.constant 1 : i32
    %scan3A_123 = arith.constant 3 : i32
    %scan3A_124 = arith.constant 4 : i32
    %scan3A_125 = arith.constant 0 : i32
    %scan3A_126 = arith.constant 16 : i32
    %scan3A_127 = arith.addi %scan3A_125, %scan3A_126 : i32
    %scan3A_128 = arith.constant 1 : i32
    %scan3A_129:16 = scf.for %scan3A_164 = %scan3A_125 to %scan3A_127 step %scan3A_128 iter_args(%scan3A_165 = %broadcast_in_dim3A_91, %scan3A_166 = %broadcast_in_dim3A_93, %scan3A_167 = %broadcast_in_dim3A_95, %scan3A_168 = %broadcast_in_dim3A_97, %scan3A_169 = %broadcast_in_dim3A_99, %scan3A_170 = %broadcast_in_dim3A_101, %scan3A_171 = %broadcast_in_dim3A_103, %scan3A_172 = %broadcast_in_dim3A_105, %scan3A_173 = %broadcast_in_dim3A_107, %scan3A_174 = %broadcast_in_dim3A_109, %scan3A_175 = %broadcast_in_dim3A_111, %scan3A_176 = %broadcast_in_dim3A_113, %scan3A_177 = %broadcast_in_dim3A_115, %scan3A_178 = %broadcast_in_dim3A_117, %scan3A_179 = %broadcast_in_dim3A_119, %scan3A_180 = %broadcast_in_dim3A_121) -> (vector<16xf32>, vector<16xf32>, vector<16xf32>, vector<16xf32>, vector<16xf32>, vector<16xf32>, vector<16xf32>, vector<16xf32>, vector<16xf32>, vector<16xf32>, vector<16xf32>, vector<16xf32>, vector<16xf32>, vector<16xf32>, vector<16xf32>, vector<16xf32>)  : i32 {
      %lt3A = arith.constant 15 : i32
      %lt3A_181 = arith.cmpi slt, %scan3A_164, %lt3A : i32
      %convert_element_type3A = arith.extui %lt3A_181 : i1 to i32
      %cond3A = arith.constant 0 : i32
      %cond3A_182 = arith.cmpi ne, %convert_element_type3A, %cond3A : i32
      scf.if %cond3A_182 {
        %add3A_273 = arith.constant 1 : i32
        %add3A_274 = arith.addi %scan3A_164, %add3A_273 : i32
        %rem3A_275 = arith.constant 2 : i32
        %rem3A_276 = arith.remsi %add3A_274, %rem3A_275 : i32
        %mul3A_277 = arith.constant 4 : i32
        %mul3A_278 = arith.muli %mul3A_277, %rem3A_276 : i32
        %add3A_279 = arith.constant 0 : i32
        %add3A_280 = arith.addi %mul3A_278, %add3A_279 : i32
        %mul3A_281 = arith.constant 32 : i32
        %mul3A_282 = arith.muli %add3A_280, %mul3A_281 : i32
        %mul3A_283 = arith.constant 32 : i32
        %mul3A_284 = arith.muli %add3A_274, %mul3A_283 : i32
        %dma_start3A_285 = arith.constant 0 : i32
        %dma_start3A_286 = tpu.memref_slice %arg6[%mul3A_282, %dma_start3A_285] : memref<256x256xf32, #tpu.memory_space<vmem>> -> memref<32x256xf32, #tpu.memory_space<vmem>>
        %dma_start3A_287 = arith.constant 0 : i32
        %dma_start3A_288 = tpu.memref_slice %arg8[%scan3A, %dma_start3A_287] : memref<5x512xi32, #tpu.memory_space<vmem>> -> memref<1x512xi32, #tpu.memory_space<vmem>>
        %dma_start3A_289 = tpu.memref_squeeze %dma_start3A_288 : memref<1x512xi32, #tpu.memory_space<vmem>> -> memref<512xi32, #tpu.memory_space<vmem>>
        %dma_start3A_290 = tpu.memref_slice %dma_start3A_289[%mul3A_284] : memref<512xi32, #tpu.memory_space<vmem>> -> memref<32xi32, #tpu.memory_space<vmem>>
        %dma_start3A_291 = arith.constant 0 : i32
        %dma_start3A_292 = arith.constant 0 : i32
        %dma_start3A_293 = tpu.memref_slice %arg2[%dma_start3A_291, %dma_start3A_292] : memref<100000x256xf32, #tpu.memory_space<hbm>> -> memref<100000x256xf32, #tpu.memory_space<hbm>>
        %dma_start3A_294 = tpu.memref_slice %arg10[%rem3A_276] : memref<2x!tpu.dma_semaphore, #tpu.memory_space<semaphore_mem>> -> memref<1x!tpu.dma_semaphore, #tpu.memory_space<semaphore_mem>>
        %dma_start3A_295 = tpu.memref_squeeze %dma_start3A_294 : memref<1x!tpu.dma_semaphore, #tpu.memory_space<semaphore_mem>> -> memref<!tpu.dma_semaphore, #tpu.memory_space<semaphore_mem>>
        tpu.enqueue_indirect_dma source(%dma_start3A_293 : memref<100000x256xf32, #tpu.memory_space<hbm>>) target(%dma_start3A_286 : memref<32x256xf32, #tpu.memory_space<vmem>>) offsets(%dma_start3A_290 : memref<32xi32, #tpu.memory_space<vmem>>) semaphore(%dma_start3A_295 : memref<!tpu.dma_semaphore, #tpu.memory_space<semaphore_mem>>)
        %mul3A_296 = arith.constant 4 : i32
        %mul3A_297 = arith.muli %mul3A_296, %rem3A_276 : i32
        %add3A_298 = arith.constant 1 : i32
        %add3A_299 = arith.addi %mul3A_297, %add3A_298 : i32
        %mul3A_300 = arith.constant 32 : i32
        %mul3A_301 = arith.muli %add3A_299, %mul3A_300 : i32
        %mul3A_302 = arith.constant 32 : i32
        %mul3A_303 = arith.muli %add3A_274, %mul3A_302 : i32
        %dma_start3A_304 = arith.constant 0 : i32
        %dma_start3A_305 = tpu.memref_slice %arg6[%mul3A_301, %dma_start3A_304] : memref<256x256xf32, #tpu.memory_space<vmem>> -> memref<32x256xf32, #tpu.memory_space<vmem>>
        %dma_start3A_306 = arith.constant 0 : i32
        %dma_start3A_307 = tpu.memref_slice %arg8[%scan3A_122, %dma_start3A_306] : memref<5x512xi32, #tpu.memory_space<vmem>> -> memref<1x512xi32, #tpu.memory_space<vmem>>
        %dma_start3A_308 = tpu.memref_squeeze %dma_start3A_307 : memref<1x512xi32, #tpu.memory_space<vmem>> -> memref<512xi32, #tpu.memory_space<vmem>>
        %dma_start3A_309 = tpu.memref_slice %dma_start3A_308[%mul3A_303] : memref<512xi32, #tpu.memory_space<vmem>> -> memref<32xi32, #tpu.memory_space<vmem>>
        %dma_start3A_310 = arith.constant 0 : i32
        %dma_start3A_311 = arith.constant 0 : i32
        %dma_start3A_312 = tpu.memref_slice %arg2[%dma_start3A_310, %dma_start3A_311] : memref<100000x256xf32, #tpu.memory_space<hbm>> -> memref<100000x256xf32, #tpu.memory_space<hbm>>
        %dma_start3A_313 = tpu.memref_slice %arg10[%rem3A_276] : memref<2x!tpu.dma_semaphore, #tpu.memory_space<semaphore_mem>> -> memref<1x!tpu.dma_semaphore, #tpu.memory_space<semaphore_mem>>
        %dma_start3A_314 = tpu.memref_squeeze %dma_start3A_313 : memref<1x!tpu.dma_semaphore, #tpu.memory_space<semaphore_mem>> -> memref<!tpu.dma_semaphore, #tpu.memory_space<semaphore_mem>>
        tpu.enqueue_indirect_dma source(%dma_start3A_312 : memref<100000x256xf32, #tpu.memory_space<hbm>>) target(%dma_start3A_305 : memref<32x256xf32, #tpu.memory_space<vmem>>) offsets(%dma_start3A_309 : memref<32xi32, #tpu.memory_space<vmem>>) semaphore(%dma_start3A_314 : memref<!tpu.dma_semaphore, #tpu.memory_space<semaphore_mem>>)
        %mul3A_315 = arith.constant 4 : i32
        %mul3A_316 = arith.muli %mul3A_315, %rem3A_276 : i32
        %add3A_317 = arith.constant 2 : i32
        %add3A_318 = arith.addi %mul3A_316, %add3A_317 : i32
        %mul3A_319 = arith.constant 32 : i32
        %mul3A_320 = arith.muli %add3A_318, %mul3A_319 : i32
        %mul3A_321 = arith.constant 32 : i32
        %mul3A_322 = arith.muli %add3A_274, %mul3A_321 : i32
        %dma_start3A_323 = arith.constant 0 : i32
        %dma_start3A_324 = tpu.memref_slice %arg6[%mul3A_320, %dma_start3A_323] : memref<256x256xf32, #tpu.memory_space<vmem>> -> memref<32x256xf32, #tpu.memory_space<vmem>>
        %dma_start3A_325 = arith.constant 0 : i32
        %dma_start3A_326 = tpu.memref_slice %arg8[%scan3A_123, %dma_start3A_325] : memref<5x512xi32, #tpu.memory_space<vmem>> -> memref<1x512xi32, #tpu.memory_space<vmem>>
        %dma_start3A_327 = tpu.memref_squeeze %dma_start3A_326 : memref<1x512xi32, #tpu.memory_space<vmem>> -> memref<512xi32, #tpu.memory_space<vmem>>
        %dma_start3A_328 = tpu.memref_slice %dma_start3A_327[%mul3A_322] : memref<512xi32, #tpu.memory_space<vmem>> -> memref<32xi32, #tpu.memory_space<vmem>>
        %dma_start3A_329 = arith.constant 0 : i32
        %dma_start3A_330 = arith.constant 0 : i32
        %dma_start3A_331 = tpu.memref_slice %arg2[%dma_start3A_329, %dma_start3A_330] : memref<100000x256xf32, #tpu.memory_space<hbm>> -> memref<100000x256xf32, #tpu.memory_space<hbm>>
        %dma_start3A_332 = tpu.memref_slice %arg10[%rem3A_276] : memref<2x!tpu.dma_semaphore, #tpu.memory_space<semaphore_mem>> -> memref<1x!tpu.dma_semaphore, #tpu.memory_space<semaphore_mem>>
        %dma_start3A_333 = tpu.memref_squeeze %dma_start3A_332 : memref<1x!tpu.dma_semaphore, #tpu.memory_space<semaphore_mem>> -> memref<!tpu.dma_semaphore, #tpu.memory_space<semaphore_mem>>
        tpu.enqueue_indirect_dma source(%dma_start3A_331 : memref<100000x256xf32, #tpu.memory_space<hbm>>) target(%dma_start3A_324 : memref<32x256xf32, #tpu.memory_space<vmem>>) offsets(%dma_start3A_328 : memref<32xi32, #tpu.memory_space<vmem>>) semaphore(%dma_start3A_333 : memref<!tpu.dma_semaphore, #tpu.memory_space<semaphore_mem>>)
        %mul3A_334 = arith.constant 4 : i32
        %mul3A_335 = arith.muli %mul3A_334, %rem3A_276 : i32
        %add3A_336 = arith.constant 3 : i32
        %add3A_337 = arith.addi %mul3A_335, %add3A_336 : i32
        %mul3A_338 = arith.constant 32 : i32
        %mul3A_339 = arith.muli %add3A_337, %mul3A_338 : i32
        %mul3A_340 = arith.constant 32 : i32
        %mul3A_341 = arith.muli %add3A_274, %mul3A_340 : i32
        %dma_start3A_342 = arith.constant 0 : i32
        %dma_start3A_343 = tpu.memref_slice %arg6[%mul3A_339, %dma_start3A_342] : memref<256x256xf32, #tpu.memory_space<vmem>> -> memref<32x256xf32, #tpu.memory_space<vmem>>
        %dma_start3A_344 = arith.constant 0 : i32
        %dma_start3A_345 = tpu.memref_slice %arg8[%scan3A_124, %dma_start3A_344] : memref<5x512xi32, #tpu.memory_space<vmem>> -> memref<1x512xi32, #tpu.memory_space<vmem>>
        %dma_start3A_346 = tpu.memref_squeeze %dma_start3A_345 : memref<1x512xi32, #tpu.memory_space<vmem>> -> memref<512xi32, #tpu.memory_space<vmem>>
        %dma_start3A_347 = tpu.memref_slice %dma_start3A_346[%mul3A_341] : memref<512xi32, #tpu.memory_space<vmem>> -> memref<32xi32, #tpu.memory_space<vmem>>
        %dma_start3A_348 = arith.constant 0 : i32
        %dma_start3A_349 = arith.constant 0 : i32
        %dma_start3A_350 = tpu.memref_slice %arg2[%dma_start3A_348, %dma_start3A_349] : memref<100000x256xf32, #tpu.memory_space<hbm>> -> memref<100000x256xf32, #tpu.memory_space<hbm>>
        %dma_start3A_351 = tpu.memref_slice %arg10[%rem3A_276] : memref<2x!tpu.dma_semaphore, #tpu.memory_space<semaphore_mem>> -> memref<1x!tpu.dma_semaphore, #tpu.memory_space<semaphore_mem>>
        %dma_start3A_352 = tpu.memref_squeeze %dma_start3A_351 : memref<1x!tpu.dma_semaphore, #tpu.memory_space<semaphore_mem>> -> memref<!tpu.dma_semaphore, #tpu.memory_space<semaphore_mem>>
        tpu.enqueue_indirect_dma source(%dma_start3A_350 : memref<100000x256xf32, #tpu.memory_space<hbm>>) target(%dma_start3A_343 : memref<32x256xf32, #tpu.memory_space<vmem>>) offsets(%dma_start3A_347 : memref<32xi32, #tpu.memory_space<vmem>>) semaphore(%dma_start3A_352 : memref<!tpu.dma_semaphore, #tpu.memory_space<semaphore_mem>>)
      } else {
      }
      %rem3A_183 = arith.constant 2 : i32
      %rem3A_184 = arith.remsi %scan3A_164, %rem3A_183 : i32
      %mul3A_185 = arith.constant 4 : i32
      %mul3A_186 = arith.muli %mul3A_185, %rem3A_184 : i32
      %add3A_187 = arith.constant 0 : i32
      %add3A_188 = arith.addi %mul3A_186, %add3A_187 : i32
      %mul3A_189 = arith.constant 32 : i32
      %mul3A_190 = arith.muli %add3A_188, %mul3A_189 : i32
      %mul3A_191 = arith.constant 32 : i32
      %mul3A_192 = arith.muli %scan3A_164, %mul3A_191 : i32
      %dma_wait3A_193 = arith.constant 0 : i32
      %dma_wait3A_194 = tpu.memref_slice %arg6[%mul3A_190, %dma_wait3A_193] : memref<256x256xf32, #tpu.memory_space<vmem>> -> memref<32x256xf32, #tpu.memory_space<vmem>>
      %dma_wait3A_195 = arith.constant 0 : i32
      %dma_wait3A_196 = tpu.memref_slice %arg8[%scan3A, %dma_wait3A_195] : memref<5x512xi32, #tpu.memory_space<vmem>> -> memref<1x512xi32, #tpu.memory_space<vmem>>
      %dma_wait3A_197 = tpu.memref_squeeze %dma_wait3A_196 : memref<1x512xi32, #tpu.memory_space<vmem>> -> memref<512xi32, #tpu.memory_space<vmem>>
      %dma_wait3A_198 = tpu.memref_slice %dma_wait3A_197[%mul3A_192] : memref<512xi32, #tpu.memory_space<vmem>> -> memref<32xi32, #tpu.memory_space<vmem>>
      %dma_wait3A_199 = arith.constant 0 : i32
      %dma_wait3A_200 = arith.constant 0 : i32
      %dma_wait3A_201 = tpu.memref_slice %arg2[%dma_wait3A_199, %dma_wait3A_200] : memref<100000x256xf32, #tpu.memory_space<hbm>> -> memref<100000x256xf32, #tpu.memory_space<hbm>>
      %dma_wait3A_202 = tpu.memref_slice %arg10[%rem3A_184] : memref<2x!tpu.dma_semaphore, #tpu.memory_space<semaphore_mem>> -> memref<1x!tpu.dma_semaphore, #tpu.memory_space<semaphore_mem>>
      %dma_wait3A_203 = tpu.memref_squeeze %dma_wait3A_202 : memref<1x!tpu.dma_semaphore, #tpu.memory_space<semaphore_mem>> -> memref<!tpu.dma_semaphore, #tpu.memory_space<semaphore_mem>>
      tpu.wait_indirect_dma semaphore(%dma_wait3A_203 : memref<!tpu.dma_semaphore, #tpu.memory_space<semaphore_mem>>) src(%dma_wait3A_201 : memref<100000x256xf32, #tpu.memory_space<hbm>>) dst(%dma_wait3A_194 : memref<32x256xf32, #tpu.memory_space<vmem>>)
      %mul3A_204 = arith.constant 4 : i32
      %mul3A_205 = arith.muli %mul3A_204, %rem3A_184 : i32
      %add3A_206 = arith.constant 1 : i32
      %add3A_207 = arith.addi %mul3A_205, %add3A_206 : i32
      %mul3A_208 = arith.constant 32 : i32
      %mul3A_209 = arith.muli %add3A_207, %mul3A_208 : i32
      %mul3A_210 = arith.constant 32 : i32
      %mul3A_211 = arith.muli %scan3A_164, %mul3A_210 : i32
      %dma_wait3A_212 = arith.constant 0 : i32
      %dma_wait3A_213 = tpu.memref_slice %arg6[%mul3A_209, %dma_wait3A_212] : memref<256x256xf32, #tpu.memory_space<vmem>> -> memref<32x256xf32, #tpu.memory_space<vmem>>
      %dma_wait3A_214 = arith.constant 0 : i32
      %dma_wait3A_215 = tpu.memref_slice %arg8[%scan3A_122, %dma_wait3A_214] : memref<5x512xi32, #tpu.memory_space<vmem>> -> memref<1x512xi32, #tpu.memory_space<vmem>>
      %dma_wait3A_216 = tpu.memref_squeeze %dma_wait3A_215 : memref<1x512xi32, #tpu.memory_space<vmem>> -> memref<512xi32, #tpu.memory_space<vmem>>
      %dma_wait3A_217 = tpu.memref_slice %dma_wait3A_216[%mul3A_211] : memref<512xi32, #tpu.memory_space<vmem>> -> memref<32xi32, #tpu.memory_space<vmem>>
      %dma_wait3A_218 = arith.constant 0 : i32
      %dma_wait3A_219 = arith.constant 0 : i32
      %dma_wait3A_220 = tpu.memref_slice %arg2[%dma_wait3A_218, %dma_wait3A_219] : memref<100000x256xf32, #tpu.memory_space<hbm>> -> memref<100000x256xf32, #tpu.memory_space<hbm>>
      %dma_wait3A_221 = tpu.memref_slice %arg10[%rem3A_184] : memref<2x!tpu.dma_semaphore, #tpu.memory_space<semaphore_mem>> -> memref<1x!tpu.dma_semaphore, #tpu.memory_space<semaphore_mem>>
      %dma_wait3A_222 = tpu.memref_squeeze %dma_wait3A_221 : memref<1x!tpu.dma_semaphore, #tpu.memory_space<semaphore_mem>> -> memref<!tpu.dma_semaphore, #tpu.memory_space<semaphore_mem>>
      tpu.wait_indirect_dma semaphore(%dma_wait3A_222 : memref<!tpu.dma_semaphore, #tpu.memory_space<semaphore_mem>>) src(%dma_wait3A_220 : memref<100000x256xf32, #tpu.memory_space<hbm>>) dst(%dma_wait3A_213 : memref<32x256xf32, #tpu.memory_space<vmem>>)
      %mul3A_223 = arith.constant 4 : i32
      %mul3A_224 = arith.muli %mul3A_223, %rem3A_184 : i32
      %add3A_225 = arith.constant 2 : i32
      %add3A_226 = arith.addi %mul3A_224, %add3A_225 : i32
      %mul3A_227 = arith.constant 32 : i32
      %mul3A_228 = arith.muli %add3A_226, %mul3A_227 : i32
      %mul3A_229 = arith.constant 32 : i32
      %mul3A_230 = arith.muli %scan3A_164, %mul3A_229 : i32
      %dma_wait3A_231 = arith.constant 0 : i32
      %dma_wait3A_232 = tpu.memref_slice %arg6[%mul3A_228, %dma_wait3A_231] : memref<256x256xf32, #tpu.memory_space<vmem>> -> memref<32x256xf32, #tpu.memory_space<vmem>>
      %dma_wait3A_233 = arith.constant 0 : i32
      %dma_wait3A_234 = tpu.memref_slice %arg8[%scan3A_123, %dma_wait3A_233] : memref<5x512xi32, #tpu.memory_space<vmem>> -> memref<1x512xi32, #tpu.memory_space<vmem>>
      %dma_wait3A_235 = tpu.memref_squeeze %dma_wait3A_234 : memref<1x512xi32, #tpu.memory_space<vmem>> -> memref<512xi32, #tpu.memory_space<vmem>>
      %dma_wait3A_236 = tpu.memref_slice %dma_wait3A_235[%mul3A_230] : memref<512xi32, #tpu.memory_space<vmem>> -> memref<32xi32, #tpu.memory_space<vmem>>
      %dma_wait3A_237 = arith.constant 0 : i32
      %dma_wait3A_238 = arith.constant 0 : i32
      %dma_wait3A_239 = tpu.memref_slice %arg2[%dma_wait3A_237, %dma_wait3A_238] : memref<100000x256xf32, #tpu.memory_space<hbm>> -> memref<100000x256xf32, #tpu.memory_space<hbm>>
      %dma_wait3A_240 = tpu.memref_slice %arg10[%rem3A_184] : memref<2x!tpu.dma_semaphore, #tpu.memory_space<semaphore_mem>> -> memref<1x!tpu.dma_semaphore, #tpu.memory_space<semaphore_mem>>
      %dma_wait3A_241 = tpu.memref_squeeze %dma_wait3A_240 : memref<1x!tpu.dma_semaphore, #tpu.memory_space<semaphore_mem>> -> memref<!tpu.dma_semaphore, #tpu.memory_space<semaphore_mem>>
      tpu.wait_indirect_dma semaphore(%dma_wait3A_241 : memref<!tpu.dma_semaphore, #tpu.memory_space<semaphore_mem>>) src(%dma_wait3A_239 : memref<100000x256xf32, #tpu.memory_space<hbm>>) dst(%dma_wait3A_232 : memref<32x256xf32, #tpu.memory_space<vmem>>)
      %mul3A_242 = arith.constant 4 : i32
      %mul3A_243 = arith.muli %mul3A_242, %rem3A_184 : i32
      %add3A_244 = arith.constant 3 : i32
      %add3A_245 = arith.addi %mul3A_243, %add3A_244 : i32
      %mul3A_246 = arith.constant 32 : i32
      %mul3A_247 = arith.muli %add3A_245, %mul3A_246 : i32
      %mul3A_248 = arith.constant 32 : i32
      %mul3A_249 = arith.muli %scan3A_164, %mul3A_248 : i32
      %dma_wait3A_250 = arith.constant 0 : i32
      %dma_wait3A_251 = tpu.memref_slice %arg6[%mul3A_247, %dma_wait3A_250] : memref<256x256xf32, #tpu.memory_space<vmem>> -> memref<32x256xf32, #tpu.memory_space<vmem>>
      %dma_wait3A_252 = arith.constant 0 : i32
      %dma_wait3A_253 = tpu.memref_slice %arg8[%scan3A_124, %dma_wait3A_252] : memref<5x512xi32, #tpu.memory_space<vmem>> -> memref<1x512xi32, #tpu.memory_space<vmem>>
      %dma_wait3A_254 = tpu.memref_squeeze %dma_wait3A_253 : memref<1x512xi32, #tpu.memory_space<vmem>> -> memref<512xi32, #tpu.memory_space<vmem>>
      %dma_wait3A_255 = tpu.memref_slice %dma_wait3A_254[%mul3A_249] : memref<512xi32, #tpu.memory_space<vmem>> -> memref<32xi32, #tpu.memory_space<vmem>>
      %dma_wait3A_256 = arith.constant 0 : i32
      %dma_wait3A_257 = arith.constant 0 : i32
      %dma_wait3A_258 = tpu.memref_slice %arg2[%dma_wait3A_256, %dma_wait3A_257] : memref<100000x256xf32, #tpu.memory_space<hbm>> -> memref<100000x256xf32, #tpu.memory_space<hbm>>
      %dma_wait3A_259 = tpu.memref_slice %arg10[%rem3A_184] : memref<2x!tpu.dma_semaphore, #tpu.memory_space<semaphore_mem>> -> memref<1x!tpu.dma_semaphore, #tpu.memory_space<semaphore_mem>>
      %dma_wait3A_260 = tpu.memref_squeeze %dma_wait3A_259 : memref<1x!tpu.dma_semaphore, #tpu.memory_space<semaphore_mem>> -> memref<!tpu.dma_semaphore, #tpu.memory_space<semaphore_mem>>
      tpu.wait_indirect_dma semaphore(%dma_wait3A_260 : memref<!tpu.dma_semaphore, #tpu.memory_space<semaphore_mem>>) src(%dma_wait3A_258 : memref<100000x256xf32, #tpu.memory_space<hbm>>) dst(%dma_wait3A_251 : memref<32x256xf32, #tpu.memory_space<vmem>>)
      %rem3A_261 = arith.constant 2 : i32
      %rem3A_262 = arith.remsi %scan3A_164, %rem3A_261 : i32
      %mul3A_263 = arith.constant 128 : i32
      %mul3A_264 = arith.muli %rem3A_262, %mul3A_263 : i32
      %mul3A_265 = arith.constant 32 : i32
      %mul3A_266 = arith.muli %scan3A_164, %mul3A_265 : i32
      %scan3A_267 = arith.constant 0 : i32
      %scan3A_268 = arith.constant 32 : i32
      %scan3A_269 = arith.addi %scan3A_267, %scan3A_268 : i32
      %scan3A_270 = arith.constant 1 : i32
      %scan3A_271:16 = scf.for %scan3A_273 = %scan3A_267 to %scan3A_269 step %scan3A_270 iter_args(%scan3A_274 = %scan3A_165, %scan3A_275 = %scan3A_166, %scan3A_276 = %scan3A_167, %scan3A_277 = %scan3A_168, %scan3A_278 = %scan3A_169, %scan3A_279 = %scan3A_170, %scan3A_280 = %scan3A_171, %scan3A_281 = %scan3A_172, %scan3A_282 = %scan3A_173, %scan3A_283 = %scan3A_174, %scan3A_284 = %scan3A_175, %scan3A_285 = %scan3A_176, %scan3A_286 = %scan3A_177, %scan3A_287 = %scan3A_178, %scan3A_288 = %scan3A_179, %scan3A_289 = %scan3A_180) -> (vector<16xf32>, vector<16xf32>, vector<16xf32>, vector<16xf32>, vector<16xf32>, vector<16xf32>, vector<16xf32>, vector<16xf32>, vector<16xf32>, vector<16xf32>, vector<16xf32>, vector<16xf32>, vector<16xf32>, vector<16xf32>, vector<16xf32>, vector<16xf32>)  : i32 {
        %add3A_290 = arith.addi %mul3A_266, %scan3A_273 : i32
        %broadcast_in_dim3A_291 = vector.broadcast %add3A_290 : i32 to vector<16xi32>
        %gather3A = tpu.vector_load_idx %arg7[%broadcast_in_dim3A_291] : memref<512xf32, #tpu.memory_space<vmem>>[vector<16xi32>], vector<16xf32>,
        %mul3A_292 = arith.mulf %gather3A, %gather3A : vector<16xf32>
        %mul3A_293 = arith.constant 0.00833333377 : f32
        %mul3A_294 = vector.broadcast %mul3A_293 : f32 to vector<16xf32>
        %mul3A_295 = arith.mulf %mul3A_292, %mul3A_294 : vector<16xf32>
        %add3A_296 = arith.constant -0.166666672 : f32
        %add3A_297 = vector.broadcast %add3A_296 : f32 to vector<16xf32>
        %add3A_298 = arith.addf %add3A_297, %mul3A_295 : vector<16xf32>
        %mul3A_299 = arith.mulf %mul3A_292, %add3A_298 : vector<16xf32>
        %add3A_300 = arith.constant 1.000000e+00 : f32
        %add3A_301 = vector.broadcast %add3A_300 : f32 to vector<16xf32>
        %add3A_302 = arith.addf %add3A_301, %mul3A_299 : vector<16xf32>
        %mul3A_303 = arith.mulf %gather3A, %add3A_302 : vector<16xf32>
        %mul3A_304 = arith.constant -0.00138888892 : f32
        %mul3A_305 = vector.broadcast %mul3A_304 : f32 to vector<16xf32>
        %mul3A_306 = arith.mulf %mul3A_292, %mul3A_305 : vector<16xf32>
        %add3A_307 = arith.constant 0.0416666679 : f32
        %add3A_308 = vector.broadcast %add3A_307 : f32 to vector<16xf32>
        %add3A_309 = arith.addf %add3A_308, %mul3A_306 : vector<16xf32>
        %mul3A_310 = arith.mulf %mul3A_292, %add3A_309 : vector<16xf32>
        %add3A_311 = arith.constant -5.000000e-01 : f32
        %add3A_312 = vector.broadcast %add3A_311 : f32 to vector<16xf32>
        %add3A_313 = arith.addf %add3A_312, %mul3A_310 : vector<16xf32>
        %mul3A_314 = arith.mulf %mul3A_292, %add3A_313 : vector<16xf32>
        %add3A_315 = arith.constant 1.000000e+00 : f32
        %add3A_316 = vector.broadcast %add3A_315 : f32 to vector<16xf32>
        %add3A_317 = arith.addf %add3A_316, %mul3A_314 : vector<16xf32>
        %add3A_318 = arith.constant 0 : i32
        %add3A_319 = arith.addi %mul3A_264, %add3A_318 : i32
        %add3A_320 = arith.addi %add3A_319, %scan3A_273 : i32
        %add3A_321 = arith.constant 32 : i32
        %add3A_322 = arith.addi %add3A_320, %add3A_321 : i32
        %get3A = arith.index_cast %add3A_320 : i32 to index
        %get3A_323 = arith.constant 0 : index
        %get3A_324 = tpu.vector_load %arg6[%get3A, %get3A_323] {strides = array<i32>} : memref<256x256xf32, #tpu.memory_space<vmem>>, vector<16xf32>,
        %get3A_325 = arith.index_cast %add3A_320 : i32 to index
        %get3A_326 = arith.constant 128 : index
        %get3A_327 = tpu.vector_load %arg6[%get3A_325, %get3A_326] {strides = array<i32>} : memref<256x256xf32, #tpu.memory_space<vmem>>, vector<16xf32>,
        %get3A_328 = arith.index_cast %add3A_322 : i32 to index
        %get3A_329 = arith.constant 0 : index
        %get3A_330 = tpu.vector_load %arg6[%get3A_328, %get3A_329] {strides = array<i32>} : memref<256x256xf32, #tpu.memory_space<vmem>>, vector<16xf32>,
        %get3A_331 = arith.index_cast %add3A_322 : i32 to index
        %get3A_332 = arith.constant 128 : index
        %get3A_333 = tpu.vector_load %arg6[%get3A_331, %get3A_332] {strides = array<i32>} : memref<256x256xf32, #tpu.memory_space<vmem>>, vector<16xf32>,
        %mul3A_334 = arith.mulf %get3A_324, %add3A_317 : vector<16xf32>
        %mul3A_335 = arith.mulf %get3A_327, %mul3A_303 : vector<16xf32>
        %sub3A = arith.subf %mul3A_334, %mul3A_335 : vector<16xf32>
        %sub3A_336 = arith.subf %sub3A, %get3A_330 : vector<16xf32>
        %mul3A_337 = arith.mulf %get3A_324, %mul3A_303 : vector<16xf32>
        %mul3A_338 = arith.mulf %get3A_327, %add3A_317 : vector<16xf32>
        %add3A_339 = arith.addf %mul3A_337, %mul3A_338 : vector<16xf32>
        %sub3A_340 = arith.subf %add3A_339, %get3A_333 : vector<16xf32>
        %mul3A_341 = arith.mulf %sub3A_336, %sub3A_336 : vector<16xf32>
        %mul3A_342 = arith.mulf %sub3A_340, %sub3A_340 : vector<16xf32>
        %add3A_343 = arith.addf %mul3A_341, %mul3A_342 : vector<16xf32>
        %bitcast3A = vector.bitcast %add3A_343 : vector<16xf32> to vector<16xi32>
        %shift_right_arithmetic3A = arith.constant 1 : i32
        %shift_right_arithmetic3A_344 = vector.broadcast %shift_right_arithmetic3A : i32 to vector<16xi32>
        %shift_right_arithmetic3A_345 = arith.shrsi %bitcast3A, %shift_right_arithmetic3A_344 : vector<16xi32>
        %sub3A_346 = arith.constant 1597463007 : i32
        %sub3A_347 = vector.broadcast %sub3A_346 : i32 to vector<16xi32>
        %sub3A_348 = arith.subi %sub3A_347, %shift_right_arithmetic3A_345 : vector<16xi32>
        %bitcast3A_349 = vector.bitcast %sub3A_348 : vector<16xi32> to vector<16xf32>
        %mul3A_350 = arith.mulf %add3A_343, %bitcast3A_349 : vector<16xf32>
        %add3A_351 = arith.addf %scan3A_274, %mul3A_350 : vector<16xf32>
        %get3A_352 = arith.index_cast %add3A_320 : i32 to index
        %get3A_353 = arith.constant 16 : index
        %get3A_354 = tpu.vector_load %arg6[%get3A_352, %get3A_353] {strides = array<i32>} : memref<256x256xf32, #tpu.memory_space<vmem>>, vector<16xf32>,
        %get3A_355 = arith.index_cast %add3A_320 : i32 to index
        %get3A_356 = arith.constant 144 : index
        %get3A_357 = tpu.vector_load %arg6[%get3A_355, %get3A_356] {strides = array<i32>} : memref<256x256xf32, #tpu.memory_space<vmem>>, vector<16xf32>,
        %get3A_358 = arith.index_cast %add3A_322 : i32 to index
        %get3A_359 = arith.constant 16 : index
        %get3A_360 = tpu.vector_load %arg6[%get3A_358, %get3A_359] {strides = array<i32>} : memref<256x256xf32, #tpu.memory_space<vmem>>, vector<16xf32>,
        %get3A_361 = arith.index_cast %add3A_322 : i32 to index
        %get3A_362 = arith.constant 144 : index
        %get3A_363 = tpu.vector_load %arg6[%get3A_361, %get3A_362] {strides = array<i32>} : memref<256x256xf32, #tpu.memory_space<vmem>>, vector<16xf32>,
        %mul3A_364 = arith.mulf %get3A_354, %add3A_317 : vector<16xf32>
        %mul3A_365 = arith.mulf %get3A_357, %mul3A_303 : vector<16xf32>
        %sub3A_366 = arith.subf %mul3A_364, %mul3A_365 : vector<16xf32>
        %sub3A_367 = arith.subf %sub3A_366, %get3A_360 : vector<16xf32>
        %mul3A_368 = arith.mulf %get3A_354, %mul3A_303 : vector<16xf32>
        %mul3A_369 = arith.mulf %get3A_357, %add3A_317 : vector<16xf32>
        %add3A_370 = arith.addf %mul3A_368, %mul3A_369 : vector<16xf32>
        %sub3A_371 = arith.subf %add3A_370, %get3A_363 : vector<16xf32>
        %mul3A_372 = arith.mulf %sub3A_367, %sub3A_367 : vector<16xf32>
        %mul3A_373 = arith.mulf %sub3A_371, %sub3A_371 : vector<16xf32>
        %add3A_374 = arith.addf %mul3A_372, %mul3A_373 : vector<16xf32>
        %bitcast3A_375 = vector.bitcast %add3A_374 : vector<16xf32> to vector<16xi32>
        %shift_right_arithmetic3A_376 = arith.constant 1 : i32
        %shift_right_arithmetic3A_377 = vector.broadcast %shift_right_arithmetic3A_376 : i32 to vector<16xi32>
        %shift_right_arithmetic3A_378 = arith.shrsi %bitcast3A_375, %shift_right_arithmetic3A_377 : vector<16xi32>
        %sub3A_379 = arith.constant 1597463007 : i32
        %sub3A_380 = vector.broadcast %sub3A_379 : i32 to vector<16xi32>
        %sub3A_381 = arith.subi %sub3A_380, %shift_right_arithmetic3A_378 : vector<16xi32>
        %bitcast3A_382 = vector.bitcast %sub3A_381 : vector<16xi32> to vector<16xf32>
        %mul3A_383 = arith.mulf %add3A_374, %bitcast3A_382 : vector<16xf32>
        %add3A_384 = arith.addf %scan3A_275, %mul3A_383 : vector<16xf32>
        %get3A_385 = arith.index_cast %add3A_320 : i32 to index
        %get3A_386 = arith.constant 32 : index
        %get3A_387 = tpu.vector_load %arg6[%get3A_385, %get3A_386] {strides = array<i32>} : memref<256x256xf32, #tpu.memory_space<vmem>>, vector<16xf32>,
        %get3A_388 = arith.index_cast %add3A_320 : i32 to index
        %get3A_389 = arith.constant 160 : index
        %get3A_390 = tpu.vector_load %arg6[%get3A_388, %get3A_389] {strides = array<i32>} : memref<256x256xf32, #tpu.memory_space<vmem>>, vector<16xf32>,
        %get3A_391 = arith.index_cast %add3A_322 : i32 to index
        %get3A_392 = arith.constant 32 : index
        %get3A_393 = tpu.vector_load %arg6[%get3A_391, %get3A_392] {strides = array<i32>} : memref<256x256xf32, #tpu.memory_space<vmem>>, vector<16xf32>,
        %get3A_394 = arith.index_cast %add3A_322 : i32 to index
        %get3A_395 = arith.constant 160 : index
        %get3A_396 = tpu.vector_load %arg6[%get3A_394, %get3A_395] {strides = array<i32>} : memref<256x256xf32, #tpu.memory_space<vmem>>, vector<16xf32>,
        %mul3A_397 = arith.mulf %get3A_387, %add3A_317 : vector<16xf32>
        %mul3A_398 = arith.mulf %get3A_390, %mul3A_303 : vector<16xf32>
        %sub3A_399 = arith.subf %mul3A_397, %mul3A_398 : vector<16xf32>
        %sub3A_400 = arith.subf %sub3A_399, %get3A_393 : vector<16xf32>
        %mul3A_401 = arith.mulf %get3A_387, %mul3A_303 : vector<16xf32>
        %mul3A_402 = arith.mulf %get3A_390, %add3A_317 : vector<16xf32>
        %add3A_403 = arith.addf %mul3A_401, %mul3A_402 : vector<16xf32>
        %sub3A_404 = arith.subf %add3A_403, %get3A_396 : vector<16xf32>
        %mul3A_405 = arith.mulf %sub3A_400, %sub3A_400 : vector<16xf32>
        %mul3A_406 = arith.mulf %sub3A_404, %sub3A_404 : vector<16xf32>
        %add3A_407 = arith.addf %mul3A_405, %mul3A_406 : vector<16xf32>
        %bitcast3A_408 = vector.bitcast %add3A_407 : vector<16xf32> to vector<16xi32>
        %shift_right_arithmetic3A_409 = arith.constant 1 : i32
        %shift_right_arithmetic3A_410 = vector.broadcast %shift_right_arithmetic3A_409 : i32 to vector<16xi32>
        %shift_right_arithmetic3A_411 = arith.shrsi %bitcast3A_408, %shift_right_arithmetic3A_410 : vector<16xi32>
        %sub3A_412 = arith.constant 1597463007 : i32
        %sub3A_413 = vector.broadcast %sub3A_412 : i32 to vector<16xi32>
        %sub3A_414 = arith.subi %sub3A_413, %shift_right_arithmetic3A_411 : vector<16xi32>
        %bitcast3A_415 = vector.bitcast %sub3A_414 : vector<16xi32> to vector<16xf32>
        %mul3A_416 = arith.mulf %add3A_407, %bitcast3A_415 : vector<16xf32>
        %add3A_417 = arith.addf %scan3A_276, %mul3A_416 : vector<16xf32>
        %get3A_418 = arith.index_cast %add3A_320 : i32 to index
        %get3A_419 = arith.constant 48 : index
        %get3A_420 = tpu.vector_load %arg6[%get3A_418, %get3A_419] {strides = array<i32>} : memref<256x256xf32, #tpu.memory_space<vmem>>, vector<16xf32>,
        %get3A_421 = arith.index_cast %add3A_320 : i32 to index
        %get3A_422 = arith.constant 176 : index
        %get3A_423 = tpu.vector_load %arg6[%get3A_421, %get3A_422] {strides = array<i32>} : memref<256x256xf32, #tpu.memory_space<vmem>>, vector<16xf32>,
        %get3A_424 = arith.index_cast %add3A_322 : i32 to index
        %get3A_425 = arith.constant 48 : index
        %get3A_426 = tpu.vector_load %arg6[%get3A_424, %get3A_425] {strides = array<i32>} : memref<256x256xf32, #tpu.memory_space<vmem>>, vector<16xf32>,
        %get3A_427 = arith.index_cast %add3A_322 : i32 to index
        %get3A_428 = arith.constant 176 : index
        %get3A_429 = tpu.vector_load %arg6[%get3A_427, %get3A_428] {strides = array<i32>} : memref<256x256xf32, #tpu.memory_space<vmem>>, vector<16xf32>,
        %mul3A_430 = arith.mulf %get3A_420, %add3A_317 : vector<16xf32>
        %mul3A_431 = arith.mulf %get3A_423, %mul3A_303 : vector<16xf32>
        %sub3A_432 = arith.subf %mul3A_430, %mul3A_431 : vector<16xf32>
        %sub3A_433 = arith.subf %sub3A_432, %get3A_426 : vector<16xf32>
        %mul3A_434 = arith.mulf %get3A_420, %mul3A_303 : vector<16xf32>
        %mul3A_435 = arith.mulf %get3A_423, %add3A_317 : vector<16xf32>
        %add3A_436 = arith.addf %mul3A_434, %mul3A_435 : vector<16xf32>
        %sub3A_437 = arith.subf %add3A_436, %get3A_429 : vector<16xf32>
        %mul3A_438 = arith.mulf %sub3A_433, %sub3A_433 : vector<16xf32>
        %mul3A_439 = arith.mulf %sub3A_437, %sub3A_437 : vector<16xf32>
        %add3A_440 = arith.addf %mul3A_438, %mul3A_439 : vector<16xf32>
        %bitcast3A_441 = vector.bitcast %add3A_440 : vector<16xf32> to vector<16xi32>
        %shift_right_arithmetic3A_442 = arith.constant 1 : i32
        %shift_right_arithmetic3A_443 = vector.broadcast %shift_right_arithmetic3A_442 : i32 to vector<16xi32>
        %shift_right_arithmetic3A_444 = arith.shrsi %bitcast3A_441, %shift_right_arithmetic3A_443 : vector<16xi32>
        %sub3A_445 = arith.constant 1597463007 : i32
        %sub3A_446 = vector.broadcast %sub3A_445 : i32 to vector<16xi32>
        %sub3A_447 = arith.subi %sub3A_446, %shift_right_arithmetic3A_444 : vector<16xi32>
        %bitcast3A_448 = vector.bitcast %sub3A_447 : vector<16xi32> to vector<16xf32>
        %mul3A_449 = arith.mulf %add3A_440, %bitcast3A_448 : vector<16xf32>
        %add3A_450 = arith.addf %scan3A_277, %mul3A_449 : vector<16xf32>
        %get3A_451 = arith.index_cast %add3A_320 : i32 to index
        %get3A_452 = arith.constant 64 : index
        %get3A_453 = tpu.vector_load %arg6[%get3A_451, %get3A_452] {strides = array<i32>} : memref<256x256xf32, #tpu.memory_space<vmem>>, vector<16xf32>,
        %get3A_454 = arith.index_cast %add3A_320 : i32 to index
        %get3A_455 = arith.constant 192 : index
        %get3A_456 = tpu.vector_load %arg6[%get3A_454, %get3A_455] {strides = array<i32>} : memref<256x256xf32, #tpu.memory_space<vmem>>, vector<16xf32>,
        %get3A_457 = arith.index_cast %add3A_322 : i32 to index
        %get3A_458 = arith.constant 64 : index
        %get3A_459 = tpu.vector_load %arg6[%get3A_457, %get3A_458] {strides = array<i32>} : memref<256x256xf32, #tpu.memory_space<vmem>>, vector<16xf32>,
        %get3A_460 = arith.index_cast %add3A_322 : i32 to index
        %get3A_461 = arith.constant 192 : index
        %get3A_462 = tpu.vector_load %arg6[%get3A_460, %get3A_461] {strides = array<i32>} : memref<256x256xf32, #tpu.memory_space<vmem>>, vector<16xf32>,
        %mul3A_463 = arith.mulf %get3A_453, %add3A_317 : vector<16xf32>
        %mul3A_464 = arith.mulf %get3A_456, %mul3A_303 : vector<16xf32>
        %sub3A_465 = arith.subf %mul3A_463, %mul3A_464 : vector<16xf32>
        %sub3A_466 = arith.subf %sub3A_465, %get3A_459 : vector<16xf32>
        %mul3A_467 = arith.mulf %get3A_453, %mul3A_303 : vector<16xf32>
        %mul3A_468 = arith.mulf %get3A_456, %add3A_317 : vector<16xf32>
        %add3A_469 = arith.addf %mul3A_467, %mul3A_468 : vector<16xf32>
        %sub3A_470 = arith.subf %add3A_469, %get3A_462 : vector<16xf32>
        %mul3A_471 = arith.mulf %sub3A_466, %sub3A_466 : vector<16xf32>
        %mul3A_472 = arith.mulf %sub3A_470, %sub3A_470 : vector<16xf32>
        %add3A_473 = arith.addf %mul3A_471, %mul3A_472 : vector<16xf32>
        %bitcast3A_474 = vector.bitcast %add3A_473 : vector<16xf32> to vector<16xi32>
        %shift_right_arithmetic3A_475 = arith.constant 1 : i32
        %shift_right_arithmetic3A_476 = vector.broadcast %shift_right_arithmetic3A_475 : i32 to vector<16xi32>
        %shift_right_arithmetic3A_477 = arith.shrsi %bitcast3A_474, %shift_right_arithmetic3A_476 : vector<16xi32>
        %sub3A_478 = arith.constant 1597463007 : i32
        %sub3A_479 = vector.broadcast %sub3A_478 : i32 to vector<16xi32>
        %sub3A_480 = arith.subi %sub3A_479, %shift_right_arithmetic3A_477 : vector<16xi32>
        %bitcast3A_481 = vector.bitcast %sub3A_480 : vector<16xi32> to vector<16xf32>
        %mul3A_482 = arith.mulf %add3A_473, %bitcast3A_481 : vector<16xf32>
        %add3A_483 = arith.addf %scan3A_278, %mul3A_482 : vector<16xf32>
        %get3A_484 = arith.index_cast %add3A_320 : i32 to index
        %get3A_485 = arith.constant 80 : index
        %get3A_486 = tpu.vector_load %arg6[%get3A_484, %get3A_485] {strides = array<i32>} : memref<256x256xf32, #tpu.memory_space<vmem>>, vector<16xf32>,
        %get3A_487 = arith.index_cast %add3A_320 : i32 to index
        %get3A_488 = arith.constant 208 : index
        %get3A_489 = tpu.vector_load %arg6[%get3A_487, %get3A_488] {strides = array<i32>} : memref<256x256xf32, #tpu.memory_space<vmem>>, vector<16xf32>,
        %get3A_490 = arith.index_cast %add3A_322 : i32 to index
        %get3A_491 = arith.constant 80 : index
        %get3A_492 = tpu.vector_load %arg6[%get3A_490, %get3A_491] {strides = array<i32>} : memref<256x256xf32, #tpu.memory_space<vmem>>, vector<16xf32>,
        %get3A_493 = arith.index_cast %add3A_322 : i32 to index
        %get3A_494 = arith.constant 208 : index
        %get3A_495 = tpu.vector_load %arg6[%get3A_493, %get3A_494] {strides = array<i32>} : memref<256x256xf32, #tpu.memory_space<vmem>>, vector<16xf32>,
        %mul3A_496 = arith.mulf %get3A_486, %add3A_317 : vector<16xf32>
        %mul3A_497 = arith.mulf %get3A_489, %mul3A_303 : vector<16xf32>
        %sub3A_498 = arith.subf %mul3A_496, %mul3A_497 : vector<16xf32>
        %sub3A_499 = arith.subf %sub3A_498, %get3A_492 : vector<16xf32>
        %mul3A_500 = arith.mulf %get3A_486, %mul3A_303 : vector<16xf32>
        %mul3A_501 = arith.mulf %get3A_489, %add3A_317 : vector<16xf32>
        %add3A_502 = arith.addf %mul3A_500, %mul3A_501 : vector<16xf32>
        %sub3A_503 = arith.subf %add3A_502, %get3A_495 : vector<16xf32>
        %mul3A_504 = arith.mulf %sub3A_499, %sub3A_499 : vector<16xf32>
        %mul3A_505 = arith.mulf %sub3A_503, %sub3A_503 : vector<16xf32>
        %add3A_506 = arith.addf %mul3A_504, %mul3A_505 : vector<16xf32>
        %bitcast3A_507 = vector.bitcast %add3A_506 : vector<16xf32> to vector<16xi32>
        %shift_right_arithmetic3A_508 = arith.constant 1 : i32
        %shift_right_arithmetic3A_509 = vector.broadcast %shift_right_arithmetic3A_508 : i32 to vector<16xi32>
        %shift_right_arithmetic3A_510 = arith.shrsi %bitcast3A_507, %shift_right_arithmetic3A_509 : vector<16xi32>
        %sub3A_511 = arith.constant 1597463007 : i32
        %sub3A_512 = vector.broadcast %sub3A_511 : i32 to vector<16xi32>
        %sub3A_513 = arith.subi %sub3A_512, %shift_right_arithmetic3A_510 : vector<16xi32>
        %bitcast3A_514 = vector.bitcast %sub3A_513 : vector<16xi32> to vector<16xf32>
        %mul3A_515 = arith.mulf %add3A_506, %bitcast3A_514 : vector<16xf32>
        %add3A_516 = arith.addf %scan3A_279, %mul3A_515 : vector<16xf32>
        %get3A_517 = arith.index_cast %add3A_320 : i32 to index
        %get3A_518 = arith.constant 96 : index
        %get3A_519 = tpu.vector_load %arg6[%get3A_517, %get3A_518] {strides = array<i32>} : memref<256x256xf32, #tpu.memory_space<vmem>>, vector<16xf32>,
        %get3A_520 = arith.index_cast %add3A_320 : i32 to index
        %get3A_521 = arith.constant 224 : index
        %get3A_522 = tpu.vector_load %arg6[%get3A_520, %get3A_521] {strides = array<i32>} : memref<256x256xf32, #tpu.memory_space<vmem>>, vector<16xf32>,
        %get3A_523 = arith.index_cast %add3A_322 : i32 to index
        %get3A_524 = arith.constant 96 : index
        %get3A_525 = tpu.vector_load %arg6[%get3A_523, %get3A_524] {strides = array<i32>} : memref<256x256xf32, #tpu.memory_space<vmem>>, vector<16xf32>,
        %get3A_526 = arith.index_cast %add3A_322 : i32 to index
        %get3A_527 = arith.constant 224 : index
        %get3A_528 = tpu.vector_load %arg6[%get3A_526, %get3A_527] {strides = array<i32>} : memref<256x256xf32, #tpu.memory_space<vmem>>, vector<16xf32>,
        %mul3A_529 = arith.mulf %get3A_519, %add3A_317 : vector<16xf32>
        %mul3A_530 = arith.mulf %get3A_522, %mul3A_303 : vector<16xf32>
        %sub3A_531 = arith.subf %mul3A_529, %mul3A_530 : vector<16xf32>
        %sub3A_532 = arith.subf %sub3A_531, %get3A_525 : vector<16xf32>
        %mul3A_533 = arith.mulf %get3A_519, %mul3A_303 : vector<16xf32>
        %mul3A_534 = arith.mulf %get3A_522, %add3A_317 : vector<16xf32>
        %add3A_535 = arith.addf %mul3A_533, %mul3A_534 : vector<16xf32>
        %sub3A_536 = arith.subf %add3A_535, %get3A_528 : vector<16xf32>
        %mul3A_537 = arith.mulf %sub3A_532, %sub3A_532 : vector<16xf32>
        %mul3A_538 = arith.mulf %sub3A_536, %sub3A_536 : vector<16xf32>
        %add3A_539 = arith.addf %mul3A_537, %mul3A_538 : vector<16xf32>
        %bitcast3A_540 = vector.bitcast %add3A_539 : vector<16xf32> to vector<16xi32>
        %shift_right_arithmetic3A_541 = arith.constant 1 : i32
        %shift_right_arithmetic3A_542 = vector.broadcast %shift_right_arithmetic3A_541 : i32 to vector<16xi32>
        %shift_right_arithmetic3A_543 = arith.shrsi %bitcast3A_540, %shift_right_arithmetic3A_542 : vector<16xi32>
        %sub3A_544 = arith.constant 1597463007 : i32
        %sub3A_545 = vector.broadcast %sub3A_544 : i32 to vector<16xi32>
        %sub3A_546 = arith.subi %sub3A_545, %shift_right_arithmetic3A_543 : vector<16xi32>
        %bitcast3A_547 = vector.bitcast %sub3A_546 : vector<16xi32> to vector<16xf32>
        %mul3A_548 = arith.mulf %add3A_539, %bitcast3A_547 : vector<16xf32>
        %add3A_549 = arith.addf %scan3A_280, %mul3A_548 : vector<16xf32>
        %get3A_550 = arith.index_cast %add3A_320 : i32 to index
        %get3A_551 = arith.constant 112 : index
        %get3A_552 = tpu.vector_load %arg6[%get3A_550, %get3A_551] {strides = array<i32>} : memref<256x256xf32, #tpu.memory_space<vmem>>, vector<16xf32>,
        %get3A_553 = arith.index_cast %add3A_320 : i32 to index
        %get3A_554 = arith.constant 240 : index
        %get3A_555 = tpu.vector_load %arg6[%get3A_553, %get3A_554] {strides = array<i32>} : memref<256x256xf32, #tpu.memory_space<vmem>>, vector<16xf32>,
        %get3A_556 = arith.index_cast %add3A_322 : i32 to index
        %get3A_557 = arith.constant 112 : index
        %get3A_558 = tpu.vector_load %arg6[%get3A_556, %get3A_557] {strides = array<i32>} : memref<256x256xf32, #tpu.memory_space<vmem>>, vector<16xf32>,
        %get3A_559 = arith.index_cast %add3A_322 : i32 to index
        %get3A_560 = arith.constant 240 : index
        %get3A_561 = tpu.vector_load %arg6[%get3A_559, %get3A_560] {strides = array<i32>} : memref<256x256xf32, #tpu.memory_space<vmem>>, vector<16xf32>,
        %mul3A_562 = arith.mulf %get3A_552, %add3A_317 : vector<16xf32>
        %mul3A_563 = arith.mulf %get3A_555, %mul3A_303 : vector<16xf32>
        %sub3A_564 = arith.subf %mul3A_562, %mul3A_563 : vector<16xf32>
        %sub3A_565 = arith.subf %sub3A_564, %get3A_558 : vector<16xf32>
        %mul3A_566 = arith.mulf %get3A_552, %mul3A_303 : vector<16xf32>
        %mul3A_567 = arith.mulf %get3A_555, %add3A_317 : vector<16xf32>
        %add3A_568 = arith.addf %mul3A_566, %mul3A_567 : vector<16xf32>
        %sub3A_569 = arith.subf %add3A_568, %get3A_561 : vector<16xf32>
        %mul3A_570 = arith.mulf %sub3A_565, %sub3A_565 : vector<16xf32>
        %mul3A_571 = arith.mulf %sub3A_569, %sub3A_569 : vector<16xf32>
        %add3A_572 = arith.addf %mul3A_570, %mul3A_571 : vector<16xf32>
        %bitcast3A_573 = vector.bitcast %add3A_572 : vector<16xf32> to vector<16xi32>
        %shift_right_arithmetic3A_574 = arith.constant 1 : i32
        %shift_right_arithmetic3A_575 = vector.broadcast %shift_right_arithmetic3A_574 : i32 to vector<16xi32>
        %shift_right_arithmetic3A_576 = arith.shrsi %bitcast3A_573, %shift_right_arithmetic3A_575 : vector<16xi32>
        %sub3A_577 = arith.constant 1597463007 : i32
        %sub3A_578 = vector.broadcast %sub3A_577 : i32 to vector<16xi32>
        %sub3A_579 = arith.subi %sub3A_578, %shift_right_arithmetic3A_576 : vector<16xi32>
        %bitcast3A_580 = vector.bitcast %sub3A_579 : vector<16xi32> to vector<16xf32>
        %mul3A_581 = arith.mulf %add3A_572, %bitcast3A_580 : vector<16xf32>
        %add3A_582 = arith.addf %scan3A_281, %mul3A_581 : vector<16xf32>
        %add3A_583 = arith.constant 64 : i32
        %add3A_584 = arith.addi %mul3A_264, %add3A_583 : i32
        %add3A_585 = arith.addi %add3A_584, %scan3A_273 : i32
        %add3A_586 = arith.constant 32 : i32
        %add3A_587 = arith.addi %add3A_585, %add3A_586 : i32
        %get3A_588 = arith.index_cast %add3A_585 : i32 to index
        %get3A_589 = arith.constant 0 : index
        %get3A_590 = tpu.vector_load %arg6[%get3A_588, %get3A_589] {strides = array<i32>} : memref<256x256xf32, #tpu.memory_space<vmem>>, vector<16xf32>,
        %get3A_591 = arith.index_cast %add3A_585 : i32 to index
        %get3A_592 = arith.constant 128 : index
        %get3A_593 = tpu.vector_load %arg6[%get3A_591, %get3A_592] {strides = array<i32>} : memref<256x256xf32, #tpu.memory_space<vmem>>, vector<16xf32>,
        %get3A_594 = arith.index_cast %add3A_587 : i32 to index
        %get3A_595 = arith.constant 0 : index
        %get3A_596 = tpu.vector_load %arg6[%get3A_594, %get3A_595] {strides = array<i32>} : memref<256x256xf32, #tpu.memory_space<vmem>>, vector<16xf32>,
        %get3A_597 = arith.index_cast %add3A_587 : i32 to index
        %get3A_598 = arith.constant 128 : index
        %get3A_599 = tpu.vector_load %arg6[%get3A_597, %get3A_598] {strides = array<i32>} : memref<256x256xf32, #tpu.memory_space<vmem>>, vector<16xf32>,
        %mul3A_600 = arith.mulf %get3A_590, %add3A_317 : vector<16xf32>
        %mul3A_601 = arith.mulf %get3A_593, %mul3A_303 : vector<16xf32>
        %sub3A_602 = arith.subf %mul3A_600, %mul3A_601 : vector<16xf32>
        %sub3A_603 = arith.subf %sub3A_602, %get3A_596 : vector<16xf32>
        %mul3A_604 = arith.mulf %get3A_590, %mul3A_303 : vector<16xf32>
        %mul3A_605 = arith.mulf %get3A_593, %add3A_317 : vector<16xf32>
        %add3A_606 = arith.addf %mul3A_604, %mul3A_605 : vector<16xf32>
        %sub3A_607 = arith.subf %add3A_606, %get3A_599 : vector<16xf32>
        %mul3A_608 = arith.mulf %sub3A_603, %sub3A_603 : vector<16xf32>
        %mul3A_609 = arith.mulf %sub3A_607, %sub3A_607 : vector<16xf32>
        %add3A_610 = arith.addf %mul3A_608, %mul3A_609 : vector<16xf32>
        %bitcast3A_611 = vector.bitcast %add3A_610 : vector<16xf32> to vector<16xi32>
        %shift_right_arithmetic3A_612 = arith.constant 1 : i32
        %shift_right_arithmetic3A_613 = vector.broadcast %shift_right_arithmetic3A_612 : i32 to vector<16xi32>
        %shift_right_arithmetic3A_614 = arith.shrsi %bitcast3A_611, %shift_right_arithmetic3A_613 : vector<16xi32>
        %sub3A_615 = arith.constant 1597463007 : i32
        %sub3A_616 = vector.broadcast %sub3A_615 : i32 to vector<16xi32>
        %sub3A_617 = arith.subi %sub3A_616, %shift_right_arithmetic3A_614 : vector<16xi32>
        %bitcast3A_618 = vector.bitcast %sub3A_617 : vector<16xi32> to vector<16xf32>
        %mul3A_619 = arith.mulf %add3A_610, %bitcast3A_618 : vector<16xf32>
        %add3A_620 = arith.addf %scan3A_282, %mul3A_619 : vector<16xf32>
        %get3A_621 = arith.index_cast %add3A_585 : i32 to index
        %get3A_622 = arith.constant 16 : index
        %get3A_623 = tpu.vector_load %arg6[%get3A_621, %get3A_622] {strides = array<i32>} : memref<256x256xf32, #tpu.memory_space<vmem>>, vector<16xf32>,
        %get3A_624 = arith.index_cast %add3A_585 : i32 to index
        %get3A_625 = arith.constant 144 : index
        %get3A_626 = tpu.vector_load %arg6[%get3A_624, %get3A_625] {strides = array<i32>} : memref<256x256xf32, #tpu.memory_space<vmem>>, vector<16xf32>,
        %get3A_627 = arith.index_cast %add3A_587 : i32 to index
        %get3A_628 = arith.constant 16 : index
        %get3A_629 = tpu.vector_load %arg6[%get3A_627, %get3A_628] {strides = array<i32>} : memref<256x256xf32, #tpu.memory_space<vmem>>, vector<16xf32>,
        %get3A_630 = arith.index_cast %add3A_587 : i32 to index
        %get3A_631 = arith.constant 144 : index
        %get3A_632 = tpu.vector_load %arg6[%get3A_630, %get3A_631] {strides = array<i32>} : memref<256x256xf32, #tpu.memory_space<vmem>>, vector<16xf32>,
        %mul3A_633 = arith.mulf %get3A_623, %add3A_317 : vector<16xf32>
        %mul3A_634 = arith.mulf %get3A_626, %mul3A_303 : vector<16xf32>
        %sub3A_635 = arith.subf %mul3A_633, %mul3A_634 : vector<16xf32>
        %sub3A_636 = arith.subf %sub3A_635, %get3A_629 : vector<16xf32>
        %mul3A_637 = arith.mulf %get3A_623, %mul3A_303 : vector<16xf32>
        %mul3A_638 = arith.mulf %get3A_626, %add3A_317 : vector<16xf32>
        %add3A_639 = arith.addf %mul3A_637, %mul3A_638 : vector<16xf32>
        %sub3A_640 = arith.subf %add3A_639, %get3A_632 : vector<16xf32>
        %mul3A_641 = arith.mulf %sub3A_636, %sub3A_636 : vector<16xf32>
        %mul3A_642 = arith.mulf %sub3A_640, %sub3A_640 : vector<16xf32>
        %add3A_643 = arith.addf %mul3A_641, %mul3A_642 : vector<16xf32>
        %bitcast3A_644 = vector.bitcast %add3A_643 : vector<16xf32> to vector<16xi32>
        %shift_right_arithmetic3A_645 = arith.constant 1 : i32
        %shift_right_arithmetic3A_646 = vector.broadcast %shift_right_arithmetic3A_645 : i32 to vector<16xi32>
        %shift_right_arithmetic3A_647 = arith.shrsi %bitcast3A_644, %shift_right_arithmetic3A_646 : vector<16xi32>
        %sub3A_648 = arith.constant 1597463007 : i32
        %sub3A_649 = vector.broadcast %sub3A_648 : i32 to vector<16xi32>
        %sub3A_650 = arith.subi %sub3A_649, %shift_right_arithmetic3A_647 : vector<16xi32>
        %bitcast3A_651 = vector.bitcast %sub3A_650 : vector<16xi32> to vector<16xf32>
        %mul3A_652 = arith.mulf %add3A_643, %bitcast3A_651 : vector<16xf32>
        %add3A_653 = arith.addf %scan3A_283, %mul3A_652 : vector<16xf32>
        %get3A_654 = arith.index_cast %add3A_585 : i32 to index
        %get3A_655 = arith.constant 32 : index
        %get3A_656 = tpu.vector_load %arg6[%get3A_654, %get3A_655] {strides = array<i32>} : memref<256x256xf32, #tpu.memory_space<vmem>>, vector<16xf32>,
        %get3A_657 = arith.index_cast %add3A_585 : i32 to index
        %get3A_658 = arith.constant 160 : index
        %get3A_659 = tpu.vector_load %arg6[%get3A_657, %get3A_658] {strides = array<i32>} : memref<256x256xf32, #tpu.memory_space<vmem>>, vector<16xf32>,
        %get3A_660 = arith.index_cast %add3A_587 : i32 to index
        %get3A_661 = arith.constant 32 : index
        %get3A_662 = tpu.vector_load %arg6[%get3A_660, %get3A_661] {strides = array<i32>} : memref<256x256xf32, #tpu.memory_space<vmem>>, vector<16xf32>,
        %get3A_663 = arith.index_cast %add3A_587 : i32 to index
        %get3A_664 = arith.constant 160 : index
        %get3A_665 = tpu.vector_load %arg6[%get3A_663, %get3A_664] {strides = array<i32>} : memref<256x256xf32, #tpu.memory_space<vmem>>, vector<16xf32>,
        %mul3A_666 = arith.mulf %get3A_656, %add3A_317 : vector<16xf32>
        %mul3A_667 = arith.mulf %get3A_659, %mul3A_303 : vector<16xf32>
        %sub3A_668 = arith.subf %mul3A_666, %mul3A_667 : vector<16xf32>
        %sub3A_669 = arith.subf %sub3A_668, %get3A_662 : vector<16xf32>
        %mul3A_670 = arith.mulf %get3A_656, %mul3A_303 : vector<16xf32>
        %mul3A_671 = arith.mulf %get3A_659, %add3A_317 : vector<16xf32>
        %add3A_672 = arith.addf %mul3A_670, %mul3A_671 : vector<16xf32>
        %sub3A_673 = arith.subf %add3A_672, %get3A_665 : vector<16xf32>
        %mul3A_674 = arith.mulf %sub3A_669, %sub3A_669 : vector<16xf32>
        %mul3A_675 = arith.mulf %sub3A_673, %sub3A_673 : vector<16xf32>
        %add3A_676 = arith.addf %mul3A_674, %mul3A_675 : vector<16xf32>
        %bitcast3A_677 = vector.bitcast %add3A_676 : vector<16xf32> to vector<16xi32>
        %shift_right_arithmetic3A_678 = arith.constant 1 : i32
        %shift_right_arithmetic3A_679 = vector.broadcast %shift_right_arithmetic3A_678 : i32 to vector<16xi32>
        %shift_right_arithmetic3A_680 = arith.shrsi %bitcast3A_677, %shift_right_arithmetic3A_679 : vector<16xi32>
        %sub3A_681 = arith.constant 1597463007 : i32
        %sub3A_682 = vector.broadcast %sub3A_681 : i32 to vector<16xi32>
        %sub3A_683 = arith.subi %sub3A_682, %shift_right_arithmetic3A_680 : vector<16xi32>
        %bitcast3A_684 = vector.bitcast %sub3A_683 : vector<16xi32> to vector<16xf32>
        %mul3A_685 = arith.mulf %add3A_676, %bitcast3A_684 : vector<16xf32>
        %add3A_686 = arith.addf %scan3A_284, %mul3A_685 : vector<16xf32>
        %get3A_687 = arith.index_cast %add3A_585 : i32 to index
        %get3A_688 = arith.constant 48 : index
        %get3A_689 = tpu.vector_load %arg6[%get3A_687, %get3A_688] {strides = array<i32>} : memref<256x256xf32, #tpu.memory_space<vmem>>, vector<16xf32>,
        %get3A_690 = arith.index_cast %add3A_585 : i32 to index
        %get3A_691 = arith.constant 176 : index
        %get3A_692 = tpu.vector_load %arg6[%get3A_690, %get3A_691] {strides = array<i32>} : memref<256x256xf32, #tpu.memory_space<vmem>>, vector<16xf32>,
        %get3A_693 = arith.index_cast %add3A_587 : i32 to index
        %get3A_694 = arith.constant 48 : index
        %get3A_695 = tpu.vector_load %arg6[%get3A_693, %get3A_694] {strides = array<i32>} : memref<256x256xf32, #tpu.memory_space<vmem>>, vector<16xf32>,
        %get3A_696 = arith.index_cast %add3A_587 : i32 to index
        %get3A_697 = arith.constant 176 : index
        %get3A_698 = tpu.vector_load %arg6[%get3A_696, %get3A_697] {strides = array<i32>} : memref<256x256xf32, #tpu.memory_space<vmem>>, vector<16xf32>,
        %mul3A_699 = arith.mulf %get3A_689, %add3A_317 : vector<16xf32>
        %mul3A_700 = arith.mulf %get3A_692, %mul3A_303 : vector<16xf32>
        %sub3A_701 = arith.subf %mul3A_699, %mul3A_700 : vector<16xf32>
        %sub3A_702 = arith.subf %sub3A_701, %get3A_695 : vector<16xf32>
        %mul3A_703 = arith.mulf %get3A_689, %mul3A_303 : vector<16xf32>
        %mul3A_704 = arith.mulf %get3A_692, %add3A_317 : vector<16xf32>
        %add3A_705 = arith.addf %mul3A_703, %mul3A_704 : vector<16xf32>
        %sub3A_706 = arith.subf %add3A_705, %get3A_698 : vector<16xf32>
        %mul3A_707 = arith.mulf %sub3A_702, %sub3A_702 : vector<16xf32>
        %mul3A_708 = arith.mulf %sub3A_706, %sub3A_706 : vector<16xf32>
        %add3A_709 = arith.addf %mul3A_707, %mul3A_708 : vector<16xf32>
        %bitcast3A_710 = vector.bitcast %add3A_709 : vector<16xf32> to vector<16xi32>
        %shift_right_arithmetic3A_711 = arith.constant 1 : i32
        %shift_right_arithmetic3A_712 = vector.broadcast %shift_right_arithmetic3A_711 : i32 to vector<16xi32>
        %shift_right_arithmetic3A_713 = arith.shrsi %bitcast3A_710, %shift_right_arithmetic3A_712 : vector<16xi32>
        %sub3A_714 = arith.constant 1597463007 : i32
        %sub3A_715 = vector.broadcast %sub3A_714 : i32 to vector<16xi32>
        %sub3A_716 = arith.subi %sub3A_715, %shift_right_arithmetic3A_713 : vector<16xi32>
        %bitcast3A_717 = vector.bitcast %sub3A_716 : vector<16xi32> to vector<16xf32>
        %mul3A_718 = arith.mulf %add3A_709, %bitcast3A_717 : vector<16xf32>
        %add3A_719 = arith.addf %scan3A_285, %mul3A_718 : vector<16xf32>
        %get3A_720 = arith.index_cast %add3A_585 : i32 to index
        %get3A_721 = arith.constant 64 : index
        %get3A_722 = tpu.vector_load %arg6[%get3A_720, %get3A_721] {strides = array<i32>} : memref<256x256xf32, #tpu.memory_space<vmem>>, vector<16xf32>,
        %get3A_723 = arith.index_cast %add3A_585 : i32 to index
        %get3A_724 = arith.constant 192 : index
        %get3A_725 = tpu.vector_load %arg6[%get3A_723, %get3A_724] {strides = array<i32>} : memref<256x256xf32, #tpu.memory_space<vmem>>, vector<16xf32>,
        %get3A_726 = arith.index_cast %add3A_587 : i32 to index
        %get3A_727 = arith.constant 64 : index
        %get3A_728 = tpu.vector_load %arg6[%get3A_726, %get3A_727] {strides = array<i32>} : memref<256x256xf32, #tpu.memory_space<vmem>>, vector<16xf32>,
        %get3A_729 = arith.index_cast %add3A_587 : i32 to index
        %get3A_730 = arith.constant 192 : index
        %get3A_731 = tpu.vector_load %arg6[%get3A_729, %get3A_730] {strides = array<i32>} : memref<256x256xf32, #tpu.memory_space<vmem>>, vector<16xf32>,
        %mul3A_732 = arith.mulf %get3A_722, %add3A_317 : vector<16xf32>
        %mul3A_733 = arith.mulf %get3A_725, %mul3A_303 : vector<16xf32>
        %sub3A_734 = arith.subf %mul3A_732, %mul3A_733 : vector<16xf32>
        %sub3A_735 = arith.subf %sub3A_734, %get3A_728 : vector<16xf32>
        %mul3A_736 = arith.mulf %get3A_722, %mul3A_303 : vector<16xf32>
        %mul3A_737 = arith.mulf %get3A_725, %add3A_317 : vector<16xf32>
        %add3A_738 = arith.addf %mul3A_736, %mul3A_737 : vector<16xf32>
        %sub3A_739 = arith.subf %add3A_738, %get3A_731 : vector<16xf32>
        %mul3A_740 = arith.mulf %sub3A_735, %sub3A_735 : vector<16xf32>
        %mul3A_741 = arith.mulf %sub3A_739, %sub3A_739 : vector<16xf32>
        %add3A_742 = arith.addf %mul3A_740, %mul3A_741 : vector<16xf32>
        %bitcast3A_743 = vector.bitcast %add3A_742 : vector<16xf32> to vector<16xi32>
        %shift_right_arithmetic3A_744 = arith.constant 1 : i32
        %shift_right_arithmetic3A_745 = vector.broadcast %shift_right_arithmetic3A_744 : i32 to vector<16xi32>
        %shift_right_arithmetic3A_746 = arith.shrsi %bitcast3A_743, %shift_right_arithmetic3A_745 : vector<16xi32>
        %sub3A_747 = arith.constant 1597463007 : i32
        %sub3A_748 = vector.broadcast %sub3A_747 : i32 to vector<16xi32>
        %sub3A_749 = arith.subi %sub3A_748, %shift_right_arithmetic3A_746 : vector<16xi32>
        %bitcast3A_750 = vector.bitcast %sub3A_749 : vector<16xi32> to vector<16xf32>
        %mul3A_751 = arith.mulf %add3A_742, %bitcast3A_750 : vector<16xf32>
        %add3A_752 = arith.addf %scan3A_286, %mul3A_751 : vector<16xf32>
        %get3A_753 = arith.index_cast %add3A_585 : i32 to index
        %get3A_754 = arith.constant 80 : index
        %get3A_755 = tpu.vector_load %arg6[%get3A_753, %get3A_754] {strides = array<i32>} : memref<256x256xf32, #tpu.memory_space<vmem>>, vector<16xf32>,
        %get3A_756 = arith.index_cast %add3A_585 : i32 to index
        %get3A_757 = arith.constant 208 : index
        %get3A_758 = tpu.vector_load %arg6[%get3A_756, %get3A_757] {strides = array<i32>} : memref<256x256xf32, #tpu.memory_space<vmem>>, vector<16xf32>,
        %get3A_759 = arith.index_cast %add3A_587 : i32 to index
        %get3A_760 = arith.constant 80 : index
        %get3A_761 = tpu.vector_load %arg6[%get3A_759, %get3A_760] {strides = array<i32>} : memref<256x256xf32, #tpu.memory_space<vmem>>, vector<16xf32>,
        %get3A_762 = arith.index_cast %add3A_587 : i32 to index
        %get3A_763 = arith.constant 208 : index
        %get3A_764 = tpu.vector_load %arg6[%get3A_762, %get3A_763] {strides = array<i32>} : memref<256x256xf32, #tpu.memory_space<vmem>>, vector<16xf32>,
        %mul3A_765 = arith.mulf %get3A_755, %add3A_317 : vector<16xf32>
        %mul3A_766 = arith.mulf %get3A_758, %mul3A_303 : vector<16xf32>
        %sub3A_767 = arith.subf %mul3A_765, %mul3A_766 : vector<16xf32>
        %sub3A_768 = arith.subf %sub3A_767, %get3A_761 : vector<16xf32>
        %mul3A_769 = arith.mulf %get3A_755, %mul3A_303 : vector<16xf32>
        %mul3A_770 = arith.mulf %get3A_758, %add3A_317 : vector<16xf32>
        %add3A_771 = arith.addf %mul3A_769, %mul3A_770 : vector<16xf32>
        %sub3A_772 = arith.subf %add3A_771, %get3A_764 : vector<16xf32>
        %mul3A_773 = arith.mulf %sub3A_768, %sub3A_768 : vector<16xf32>
        %mul3A_774 = arith.mulf %sub3A_772, %sub3A_772 : vector<16xf32>
        %add3A_775 = arith.addf %mul3A_773, %mul3A_774 : vector<16xf32>
        %bitcast3A_776 = vector.bitcast %add3A_775 : vector<16xf32> to vector<16xi32>
        %shift_right_arithmetic3A_777 = arith.constant 1 : i32
        %shift_right_arithmetic3A_778 = vector.broadcast %shift_right_arithmetic3A_777 : i32 to vector<16xi32>
        %shift_right_arithmetic3A_779 = arith.shrsi %bitcast3A_776, %shift_right_arithmetic3A_778 : vector<16xi32>
        %sub3A_780 = arith.constant 1597463007 : i32
        %sub3A_781 = vector.broadcast %sub3A_780 : i32 to vector<16xi32>
        %sub3A_782 = arith.subi %sub3A_781, %shift_right_arithmetic3A_779 : vector<16xi32>
        %bitcast3A_783 = vector.bitcast %sub3A_782 : vector<16xi32> to vector<16xf32>
        %mul3A_784 = arith.mulf %add3A_775, %bitcast3A_783 : vector<16xf32>
        %add3A_785 = arith.addf %scan3A_287, %mul3A_784 : vector<16xf32>
        %get3A_786 = arith.index_cast %add3A_585 : i32 to index
        %get3A_787 = arith.constant 96 : index
        %get3A_788 = tpu.vector_load %arg6[%get3A_786, %get3A_787] {strides = array<i32>} : memref<256x256xf32, #tpu.memory_space<vmem>>, vector<16xf32>,
        %get3A_789 = arith.index_cast %add3A_585 : i32 to index
        %get3A_790 = arith.constant 224 : index
        %get3A_791 = tpu.vector_load %arg6[%get3A_789, %get3A_790] {strides = array<i32>} : memref<256x256xf32, #tpu.memory_space<vmem>>, vector<16xf32>,
        %get3A_792 = arith.index_cast %add3A_587 : i32 to index
        %get3A_793 = arith.constant 96 : index
        %get3A_794 = tpu.vector_load %arg6[%get3A_792, %get3A_793] {strides = array<i32>} : memref<256x256xf32, #tpu.memory_space<vmem>>, vector<16xf32>,
        %get3A_795 = arith.index_cast %add3A_587 : i32 to index
        %get3A_796 = arith.constant 224 : index
        %get3A_797 = tpu.vector_load %arg6[%get3A_795, %get3A_796] {strides = array<i32>} : memref<256x256xf32, #tpu.memory_space<vmem>>, vector<16xf32>,
        %mul3A_798 = arith.mulf %get3A_788, %add3A_317 : vector<16xf32>
        %mul3A_799 = arith.mulf %get3A_791, %mul3A_303 : vector<16xf32>
        %sub3A_800 = arith.subf %mul3A_798, %mul3A_799 : vector<16xf32>
        %sub3A_801 = arith.subf %sub3A_800, %get3A_794 : vector<16xf32>
        %mul3A_802 = arith.mulf %get3A_788, %mul3A_303 : vector<16xf32>
        %mul3A_803 = arith.mulf %get3A_791, %add3A_317 : vector<16xf32>
        %add3A_804 = arith.addf %mul3A_802, %mul3A_803 : vector<16xf32>
        %sub3A_805 = arith.subf %add3A_804, %get3A_797 : vector<16xf32>
        %mul3A_806 = arith.mulf %sub3A_801, %sub3A_801 : vector<16xf32>
        %mul3A_807 = arith.mulf %sub3A_805, %sub3A_805 : vector<16xf32>
        %add3A_808 = arith.addf %mul3A_806, %mul3A_807 : vector<16xf32>
        %bitcast3A_809 = vector.bitcast %add3A_808 : vector<16xf32> to vector<16xi32>
        %shift_right_arithmetic3A_810 = arith.constant 1 : i32
        %shift_right_arithmetic3A_811 = vector.broadcast %shift_right_arithmetic3A_810 : i32 to vector<16xi32>
        %shift_right_arithmetic3A_812 = arith.shrsi %bitcast3A_809, %shift_right_arithmetic3A_811 : vector<16xi32>
        %sub3A_813 = arith.constant 1597463007 : i32
        %sub3A_814 = vector.broadcast %sub3A_813 : i32 to vector<16xi32>
        %sub3A_815 = arith.subi %sub3A_814, %shift_right_arithmetic3A_812 : vector<16xi32>
        %bitcast3A_816 = vector.bitcast %sub3A_815 : vector<16xi32> to vector<16xf32>
        %mul3A_817 = arith.mulf %add3A_808, %bitcast3A_816 : vector<16xf32>
        %add3A_818 = arith.addf %scan3A_288, %mul3A_817 : vector<16xf32>
        %get3A_819 = arith.index_cast %add3A_585 : i32 to index
        %get3A_820 = arith.constant 112 : index
        %get3A_821 = tpu.vector_load %arg6[%get3A_819, %get3A_820] {strides = array<i32>} : memref<256x256xf32, #tpu.memory_space<vmem>>, vector<16xf32>,
        %get3A_822 = arith.index_cast %add3A_585 : i32 to index
        %get3A_823 = arith.constant 240 : index
        %get3A_824 = tpu.vector_load %arg6[%get3A_822, %get3A_823] {strides = array<i32>} : memref<256x256xf32, #tpu.memory_space<vmem>>, vector<16xf32>,
        %get3A_825 = arith.index_cast %add3A_587 : i32 to index
        %get3A_826 = arith.constant 112 : index
        %get3A_827 = tpu.vector_load %arg6[%get3A_825, %get3A_826] {strides = array<i32>} : memref<256x256xf32, #tpu.memory_space<vmem>>, vector<16xf32>,
        %get3A_828 = arith.index_cast %add3A_587 : i32 to index
        %get3A_829 = arith.constant 240 : index
        %get3A_830 = tpu.vector_load %arg6[%get3A_828, %get3A_829] {strides = array<i32>} : memref<256x256xf32, #tpu.memory_space<vmem>>, vector<16xf32>,
        %mul3A_831 = arith.mulf %get3A_821, %add3A_317 : vector<16xf32>
        %mul3A_832 = arith.mulf %get3A_824, %mul3A_303 : vector<16xf32>
        %sub3A_833 = arith.subf %mul3A_831, %mul3A_832 : vector<16xf32>
        %sub3A_834 = arith.subf %sub3A_833, %get3A_827 : vector<16xf32>
        %mul3A_835 = arith.mulf %get3A_821, %mul3A_303 : vector<16xf32>
        %mul3A_836 = arith.mulf %get3A_824, %add3A_317 : vector<16xf32>
        %add3A_837 = arith.addf %mul3A_835, %mul3A_836 : vector<16xf32>
        %sub3A_838 = arith.subf %add3A_837, %get3A_830 : vector<16xf32>
        %mul3A_839 = arith.mulf %sub3A_834, %sub3A_834 : vector<16xf32>
        %mul3A_840 = arith.mulf %sub3A_838, %sub3A_838 : vector<16xf32>
        %add3A_841 = arith.addf %mul3A_839, %mul3A_840 : vector<16xf32>
        %bitcast3A_842 = vector.bitcast %add3A_841 : vector<16xf32> to vector<16xi32>
        %shift_right_arithmetic3A_843 = arith.constant 1 : i32
        %shift_right_arithmetic3A_844 = vector.broadcast %shift_right_arithmetic3A_843 : i32 to vector<16xi32>
        %shift_right_arithmetic3A_845 = arith.shrsi %bitcast3A_842, %shift_right_arithmetic3A_844 : vector<16xi32>
        %sub3A_846 = arith.constant 1597463007 : i32
        %sub3A_847 = vector.broadcast %sub3A_846 : i32 to vector<16xi32>
        %sub3A_848 = arith.subi %sub3A_847, %shift_right_arithmetic3A_845 : vector<16xi32>
        %bitcast3A_849 = vector.bitcast %sub3A_848 : vector<16xi32> to vector<16xf32>
        %mul3A_850 = arith.mulf %add3A_841, %bitcast3A_849 : vector<16xf32>
        %add3A_851 = arith.addf %scan3A_289, %mul3A_850 : vector<16xf32>
        scf.yield %add3A_351, %add3A_384, %add3A_417, %add3A_450, %add3A_483, %add3A_516, %add3A_549, %add3A_582, %add3A_620, %add3A_653, %add3A_686, %add3A_719, %add3A_752, %add3A_785, %add3A_818, %add3A_851 : vector<16xf32>, vector<16xf32>, vector<16xf32>, vector<16xf32>, vector<16xf32>, vector<16xf32>, vector<16xf32>, vector<16xf32>, vector<16xf32>, vector<16xf32>, vector<16xf32>, vector<16xf32>, vector<16xf32>, vector<16xf32>, vector<16xf32>, vector<16xf32>
      }
      %scan3A_272 = arith.constant 32 : i32
      scf.yield %scan3A_271#0, %scan3A_271#1, %scan3A_271#2, %scan3A_271#3, %scan3A_271#4, %scan3A_271#5, %scan3A_271#6, %scan3A_271#7, %scan3A_271#8, %scan3A_271#9, %scan3A_271#10, %scan3A_271#11, %scan3A_271#12, %scan3A_271#13, %scan3A_271#14, %scan3A_271#15 : vector<16xf32>, vector<16xf32>, vector<16xf32>, vector<16xf32>, vector<16xf32>, vector<16xf32>, vector<16xf32>, vector<16xf32>, vector<16xf32>, vector<16xf32>, vector<16xf32>, vector<16xf32>, vector<16xf32>, vector<16xf32>, vector<16xf32>, vector<16xf32>
    }
    %scan3A_130 = arith.constant 16 : i32
    %swap3A = arith.constant 0 : index
    %swap3A_131 = tpu.vector_load %arg9[%swap3A] {strides = array<i32>} : memref<256xf32, #tpu.memory_space<vmem>>, vector<16xf32>,
    tpu.vector_store %arg9[%swap3A], %scan3A_129#0 {strides = array<i32>} : memref<256xf32, #tpu.memory_space<vmem>>, vector<16xf32>,
    %swap3A_132 = arith.constant 16 : index
    %swap3A_133 = tpu.vector_load %arg9[%swap3A_132] {strides = array<i32>} : memref<256xf32, #tpu.memory_space<vmem>>, vector<16xf32>,
    tpu.vector_store %arg9[%swap3A_132], %scan3A_129#1 {strides = array<i32>} : memref<256xf32, #tpu.memory_space<vmem>>, vector<16xf32>,
    %swap3A_134 = arith.constant 32 : index
    %swap3A_135 = tpu.vector_load %arg9[%swap3A_134] {strides = array<i32>} : memref<256xf32, #tpu.memory_space<vmem>>, vector<16xf32>,
    tpu.vector_store %arg9[%swap3A_134], %scan3A_129#2 {strides = array<i32>} : memref<256xf32, #tpu.memory_space<vmem>>, vector<16xf32>,
    %swap3A_136 = arith.constant 48 : index
    %swap3A_137 = tpu.vector_load %arg9[%swap3A_136] {strides = array<i32>} : memref<256xf32, #tpu.memory_space<vmem>>, vector<16xf32>,
    tpu.vector_store %arg9[%swap3A_136], %scan3A_129#3 {strides = array<i32>} : memref<256xf32, #tpu.memory_space<vmem>>, vector<16xf32>,
    %swap3A_138 = arith.constant 64 : index
    %swap3A_139 = tpu.vector_load %arg9[%swap3A_138] {strides = array<i32>} : memref<256xf32, #tpu.memory_space<vmem>>, vector<16xf32>,
    tpu.vector_store %arg9[%swap3A_138], %scan3A_129#4 {strides = array<i32>} : memref<256xf32, #tpu.memory_space<vmem>>, vector<16xf32>,
    %swap3A_140 = arith.constant 80 : index
    %swap3A_141 = tpu.vector_load %arg9[%swap3A_140] {strides = array<i32>} : memref<256xf32, #tpu.memory_space<vmem>>, vector<16xf32>,
    tpu.vector_store %arg9[%swap3A_140], %scan3A_129#5 {strides = array<i32>} : memref<256xf32, #tpu.memory_space<vmem>>, vector<16xf32>,
    %swap3A_142 = arith.constant 96 : index
    %swap3A_143 = tpu.vector_load %arg9[%swap3A_142] {strides = array<i32>} : memref<256xf32, #tpu.memory_space<vmem>>, vector<16xf32>,
    tpu.vector_store %arg9[%swap3A_142], %scan3A_129#6 {strides = array<i32>} : memref<256xf32, #tpu.memory_space<vmem>>, vector<16xf32>,
    %swap3A_144 = arith.constant 112 : index
    %swap3A_145 = tpu.vector_load %arg9[%swap3A_144] {strides = array<i32>} : memref<256xf32, #tpu.memory_space<vmem>>, vector<16xf32>,
    tpu.vector_store %arg9[%swap3A_144], %scan3A_129#7 {strides = array<i32>} : memref<256xf32, #tpu.memory_space<vmem>>, vector<16xf32>,
    %swap3A_146 = arith.constant 128 : index
    %swap3A_147 = tpu.vector_load %arg9[%swap3A_146] {strides = array<i32>} : memref<256xf32, #tpu.memory_space<vmem>>, vector<16xf32>,
    tpu.vector_store %arg9[%swap3A_146], %scan3A_129#8 {strides = array<i32>} : memref<256xf32, #tpu.memory_space<vmem>>, vector<16xf32>,
    %swap3A_148 = arith.constant 144 : index
    %swap3A_149 = tpu.vector_load %arg9[%swap3A_148] {strides = array<i32>} : memref<256xf32, #tpu.memory_space<vmem>>, vector<16xf32>,
    tpu.vector_store %arg9[%swap3A_148], %scan3A_129#9 {strides = array<i32>} : memref<256xf32, #tpu.memory_space<vmem>>, vector<16xf32>,
    %swap3A_150 = arith.constant 160 : index
    %swap3A_151 = tpu.vector_load %arg9[%swap3A_150] {strides = array<i32>} : memref<256xf32, #tpu.memory_space<vmem>>, vector<16xf32>,
    tpu.vector_store %arg9[%swap3A_150], %scan3A_129#10 {strides = array<i32>} : memref<256xf32, #tpu.memory_space<vmem>>, vector<16xf32>,
    %swap3A_152 = arith.constant 176 : index
    %swap3A_153 = tpu.vector_load %arg9[%swap3A_152] {strides = array<i32>} : memref<256xf32, #tpu.memory_space<vmem>>, vector<16xf32>,
    tpu.vector_store %arg9[%swap3A_152], %scan3A_129#11 {strides = array<i32>} : memref<256xf32, #tpu.memory_space<vmem>>, vector<16xf32>,
    %swap3A_154 = arith.constant 192 : index
    %swap3A_155 = tpu.vector_load %arg9[%swap3A_154] {strides = array<i32>} : memref<256xf32, #tpu.memory_space<vmem>>, vector<16xf32>,
    tpu.vector_store %arg9[%swap3A_154], %scan3A_129#12 {strides = array<i32>} : memref<256xf32, #tpu.memory_space<vmem>>, vector<16xf32>,
    %swap3A_156 = arith.constant 208 : index
    %swap3A_157 = tpu.vector_load %arg9[%swap3A_156] {strides = array<i32>} : memref<256xf32, #tpu.memory_space<vmem>>, vector<16xf32>,
    tpu.vector_store %arg9[%swap3A_156], %scan3A_129#13 {strides = array<i32>} : memref<256xf32, #tpu.memory_space<vmem>>, vector<16xf32>,
    %swap3A_158 = arith.constant 224 : index
    %swap3A_159 = tpu.vector_load %arg9[%swap3A_158] {strides = array<i32>} : memref<256xf32, #tpu.memory_space<vmem>>, vector<16xf32>,
    tpu.vector_store %arg9[%swap3A_158], %scan3A_129#14 {strides = array<i32>} : memref<256xf32, #tpu.memory_space<vmem>>, vector<16xf32>,
    %swap3A_160 = arith.constant 240 : index
    %swap3A_161 = tpu.vector_load %arg9[%swap3A_160] {strides = array<i32>} : memref<256xf32, #tpu.memory_space<vmem>>, vector<16xf32>,
    tpu.vector_store %arg9[%swap3A_160], %scan3A_129#15 {strides = array<i32>} : memref<256xf32, #tpu.memory_space<vmem>>, vector<16xf32>,
    "tpu.region"() ({
      %run_scoped3A = tpu.sem_alloc : memref<!tpu.dma_semaphore, #tpu.memory_space<semaphore_mem>>
      %dma_start3A_164 = arith.constant 0 : i32
      %dma_start3A_165 = tpu.memref_slice %arg9[%dma_start3A_164] : memref<256xf32, #tpu.memory_space<vmem>> -> memref<128xf32, #tpu.memory_space<vmem>>
      %dma_start3A_166 = arith.constant 0 : i32
      %dma_start3A_167 = tpu.memref_slice %arg5[%add3A, %dma_start3A_166] : memref<64x128xf32, #tpu.memory_space<hbm>> -> memref<1x128xf32, #tpu.memory_space<hbm>>
      %dma_start3A_168 = tpu.memref_squeeze %dma_start3A_167 : memref<1x128xf32, #tpu.memory_space<hbm>> -> memref<128xf32, #tpu.memory_space<hbm>>
      %dma_start3A_169 = arith.constant 0 : i32
      %dma_start3A_170 = tpu.memref_slice %arg5[%add3A, %dma_start3A_169] : memref<64x128xf32, #tpu.memory_space<hbm>> -> memref<1x128xf32, #tpu.memory_space<hbm>>
      %dma_start3A_171 = tpu.memref_squeeze %dma_start3A_170 : memref<1x128xf32, #tpu.memory_space<hbm>> -> memref<128xf32, #tpu.memory_space<hbm>>
      %dma_start3A_172 = arith.constant 0 : i32
      %dma_start3A_173 = tpu.memref_slice %arg9[%dma_start3A_172] : memref<256xf32, #tpu.memory_space<vmem>> -> memref<128xf32, #tpu.memory_space<vmem>>
      tpu.enqueue_dma source(%dma_start3A_173 : memref<128xf32, #tpu.memory_space<vmem>>) target(%dma_start3A_171 : memref<128xf32, #tpu.memory_space<hbm>>) target_semaphore(%run_scoped3A : memref<!tpu.dma_semaphore, #tpu.memory_space<semaphore_mem>>)
      %dma_wait3A_174 = arith.constant 0 : i32
      %dma_wait3A_175 = tpu.memref_slice %arg9[%dma_wait3A_174] : memref<256xf32, #tpu.memory_space<vmem>> -> memref<128xf32, #tpu.memory_space<vmem>>
      %dma_wait3A_176 = arith.constant 0 : i32
      %dma_wait3A_177 = tpu.memref_slice %arg5[%add3A, %dma_wait3A_176] : memref<64x128xf32, #tpu.memory_space<hbm>> -> memref<1x128xf32, #tpu.memory_space<hbm>>
      %dma_wait3A_178 = tpu.memref_squeeze %dma_wait3A_177 : memref<1x128xf32, #tpu.memory_space<hbm>> -> memref<128xf32, #tpu.memory_space<hbm>>
      %dma_wait3A_179 = arith.constant 0 : i32
      %dma_wait3A_180 = tpu.memref_slice %arg5[%add3A, %dma_wait3A_179] : memref<64x128xf32, #tpu.memory_space<hbm>> -> memref<1x128xf32, #tpu.memory_space<hbm>>
      %dma_wait3A_181 = tpu.memref_squeeze %dma_wait3A_180 : memref<1x128xf32, #tpu.memory_space<hbm>> -> memref<128xf32, #tpu.memory_space<hbm>>
      %dma_wait3A_182 = arith.constant 0 : i32
      %dma_wait3A_183 = tpu.memref_slice %arg9[%dma_wait3A_182] : memref<256xf32, #tpu.memory_space<vmem>> -> memref<128xf32, #tpu.memory_space<vmem>>
      tpu.wait_dma2 semaphore(%run_scoped3A : memref<!tpu.dma_semaphore, #tpu.memory_space<semaphore_mem>>) src(%dma_wait3A_183 : memref<128xf32, #tpu.memory_space<vmem>>) dst(%dma_wait3A_181 : memref<128xf32, #tpu.memory_space<hbm>>)
      tpu.yield
    }) : () -> ()
    %add3A_162 = arith.constant 32 : i32
    %add3A_163 = arith.addi %add3A_162, %add3A : i32
    "tpu.region"() ({
      %run_scoped3A = tpu.sem_alloc : memref<!tpu.dma_semaphore, #tpu.memory_space<semaphore_mem>>
      %dma_start3A_164 = arith.constant 128 : i32
      %dma_start3A_165 = tpu.memref_slice %arg9[%dma_start3A_164] : memref<256xf32, #tpu.memory_space<vmem>> -> memref<128xf32, #tpu.memory_space<vmem>>
      %dma_start3A_166 = arith.constant 0 : i32
      %dma_start3A_167 = tpu.memref_slice %arg5[%add3A_163, %dma_start3A_166] : memref<64x128xf32, #tpu.memory_space<hbm>> -> memref<1x128xf32, #tpu.memory_space<hbm>>
      %dma_start3A_168 = tpu.memref_squeeze %dma_start3A_167 : memref<1x128xf32, #tpu.memory_space<hbm>> -> memref<128xf32, #tpu.memory_space<hbm>>
      %dma_start3A_169 = arith.constant 0 : i32
      %dma_start3A_170 = tpu.memref_slice %arg5[%add3A_163, %dma_start3A_169] : memref<64x128xf32, #tpu.memory_space<hbm>> -> memref<1x128xf32, #tpu.memory_space<hbm>>
      %dma_start3A_171 = tpu.memref_squeeze %dma_start3A_170 : memref<1x128xf32, #tpu.memory_space<hbm>> -> memref<128xf32, #tpu.memory_space<hbm>>
      %dma_start3A_172 = arith.constant 128 : i32
      %dma_start3A_173 = tpu.memref_slice %arg9[%dma_start3A_172] : memref<256xf32, #tpu.memory_space<vmem>> -> memref<128xf32, #tpu.memory_space<vmem>>
      tpu.enqueue_dma source(%dma_start3A_173 : memref<128xf32, #tpu.memory_space<vmem>>) target(%dma_start3A_171 : memref<128xf32, #tpu.memory_space<hbm>>) target_semaphore(%run_scoped3A : memref<!tpu.dma_semaphore, #tpu.memory_space<semaphore_mem>>)
      %dma_wait3A_174 = arith.constant 128 : i32
      %dma_wait3A_175 = tpu.memref_slice %arg9[%dma_wait3A_174] : memref<256xf32, #tpu.memory_space<vmem>> -> memref<128xf32, #tpu.memory_space<vmem>>
      %dma_wait3A_176 = arith.constant 0 : i32
      %dma_wait3A_177 = tpu.memref_slice %arg5[%add3A_163, %dma_wait3A_176] : memref<64x128xf32, #tpu.memory_space<hbm>> -> memref<1x128xf32, #tpu.memory_space<hbm>>
      %dma_wait3A_178 = tpu.memref_squeeze %dma_wait3A_177 : memref<1x128xf32, #tpu.memory_space<hbm>> -> memref<128xf32, #tpu.memory_space<hbm>>
      %dma_wait3A_179 = arith.constant 0 : i32
      %dma_wait3A_180 = tpu.memref_slice %arg5[%add3A_163, %dma_wait3A_179] : memref<64x128xf32, #tpu.memory_space<hbm>> -> memref<1x128xf32, #tpu.memory_space<hbm>>
      %dma_wait3A_181 = tpu.memref_squeeze %dma_wait3A_180 : memref<1x128xf32, #tpu.memory_space<hbm>> -> memref<128xf32, #tpu.memory_space<hbm>>
      %dma_wait3A_182 = arith.constant 128 : i32
      %dma_wait3A_183 = tpu.memref_slice %arg9[%dma_wait3A_182] : memref<256xf32, #tpu.memory_space<vmem>> -> memref<128xf32, #tpu.memory_space<vmem>>
      tpu.wait_dma2 semaphore(%run_scoped3A : memref<!tpu.dma_semaphore, #tpu.memory_space<semaphore_mem>>) src(%dma_wait3A_183 : memref<128xf32, #tpu.memory_space<vmem>>) dst(%dma_wait3A_181 : memref<128xf32, #tpu.memory_space<hbm>>)
      tpu.yield
    }) : () -> ()
    return
  }
}

module attributes {stable_mosaic.version = 14 : i64} {
  func.func @_tc_reduce_body(%arg0: memref<64x128xf32, #tpu.memory_space<vmem>>, %arg1: memref<1x1xf32, #tpu.memory_space<vmem>>, %arg2: memref<1x1xf32, #tpu.memory_space<vmem>>) attributes {dimension_semantics = [], scalar_prefetch = 0 : i64, scratch_operands = 0 : i64, tpu.core_type = #tpu.core_type<tc>} {
    %get3A = arith.constant 0 : index
    %get3A_0 = arith.constant 0 : index
    %get3A_1 = vector.load %arg0[%get3A, %get3A_0] : memref<64x128xf32, #tpu.memory_space<vmem>>, vector<64x128xf32>
    %slice3A = vector.extract_strided_slice %get3A_1 {offsets = [0, 0], sizes = [32, 128], strides = [1, 1]} : vector<64x128xf32> to vector<32x128xf32>
    %reduce_sum3A = arith.constant dense<0.000000e+00> : vector<128xf32>
    %reduce_sum3A_2 = vector.multi_reduction <add>, %slice3A, %reduce_sum3A [0] : vector<32x128xf32> to vector<128xf32>
    %slice3A_3 = vector.extract_strided_slice %get3A_1 {offsets = [32, 0], sizes = [32, 128], strides = [1, 1]} : vector<64x128xf32> to vector<32x128xf32>
    %reduce_sum3A_4 = arith.constant dense<0.000000e+00> : vector<128xf32>
    %reduce_sum3A_5 = vector.multi_reduction <add>, %slice3A_3, %reduce_sum3A_4 [0] : vector<32x128xf32> to vector<128xf32>
    %reduce_max3A = vector.shape_cast %reduce_sum3A_2 : vector<128xf32> to vector<1x128xf32>
    %reduce_max3A_6 = arith.constant dense<0xFF800000> : vector<1xf32>
    %reduce_max3A_7 = vector.multi_reduction <maximumf>, %reduce_max3A, %reduce_max3A_6 [1] : vector<1x128xf32> to vector<1xf32>
    %reduce_max3A_8 = vector.shape_cast %reduce_max3A_7 : vector<1xf32> to vector<1x1xf32>
    %reduce_max3A_9 = vector.extract %reduce_max3A_8[0, 0] : f32 from vector<1x1xf32>
    %neg3A = arith.constant 0.000000e+00 : f32
    %neg3A_10 = arith.subf %neg3A, %reduce_max3A_9 : f32
    %logistic3A = arith.negf %neg3A_10 : f32
    %logistic3A_11 = math.exp %logistic3A : f32
    %logistic3A_12 = arith.constant 1.000000e+00 : f32
    %logistic3A_13 = arith.addf %logistic3A_12, %logistic3A_11 : f32
    %logistic3A_14 = arith.divf %logistic3A_12, %logistic3A_13 : f32
    %broadcast_in_dim3A = vector.broadcast %logistic3A_14 : f32 to vector<1x1xf32>
    %swap3A = arith.constant 0 : index
    %swap3A_15 = arith.constant 0 : index
    %swap3A_16 = vector.load %arg1[%swap3A, %swap3A_15] : memref<1x1xf32, #tpu.memory_space<vmem>>, vector<1x1xf32>
    tpu.vector_store %arg1[%swap3A, %swap3A_15], %broadcast_in_dim3A {strides = array<i32>} : memref<1x1xf32, #tpu.memory_space<vmem>>, vector<1x1xf32>,
    %reduce_max3A_17 = vector.shape_cast %reduce_sum3A_5 : vector<128xf32> to vector<1x128xf32>
    %reduce_max3A_18 = arith.constant dense<0xFF800000> : vector<1xf32>
    %reduce_max3A_19 = vector.multi_reduction <maximumf>, %reduce_max3A_17, %reduce_max3A_18 [1] : vector<1x128xf32> to vector<1xf32>
    %reduce_max3A_20 = vector.shape_cast %reduce_max3A_19 : vector<1xf32> to vector<1x1xf32>
    %reduce_max3A_21 = vector.extract %reduce_max3A_20[0, 0] : f32 from vector<1x1xf32>
    %neg3A_22 = arith.constant 0.000000e+00 : f32
    %neg3A_23 = arith.subf %neg3A_22, %reduce_max3A_21 : f32
    %logistic3A_24 = arith.negf %neg3A_23 : f32
    %logistic3A_25 = math.exp %logistic3A_24 : f32
    %logistic3A_26 = arith.constant 1.000000e+00 : f32
    %logistic3A_27 = arith.addf %logistic3A_26, %logistic3A_25 : f32
    %logistic3A_28 = arith.divf %logistic3A_26, %logistic3A_27 : f32
    %broadcast_in_dim3A_29 = vector.broadcast %logistic3A_28 : f32 to vector<1x1xf32>
    %swap3A_30 = arith.constant 0 : index
    %swap3A_31 = arith.constant 0 : index
    %swap3A_32 = vector.load %arg2[%swap3A_30, %swap3A_31] : memref<1x1xf32, #tpu.memory_space<vmem>>, vector<1x1xf32>
    tpu.vector_store %arg2[%swap3A_30, %swap3A_31], %broadcast_in_dim3A_29 {strides = array<i32>} : memref<1x1xf32, #tpu.memory_space<vmem>>, vector<1x1xf32>,
    return
  }
}

</mosaic_0001>

<sc_bundles>
// kernel: kernel.4.cloned.1.call-start
scs
__scs_entry_jumppad:
0x0: {  	(pc) =	sbr.rel $0x88, $3  }
0x1: {  	(tag) =	ssettag $0x0;
	lr =	simm.s32 $0x1  }
0x2: {  	[smem:$0x3F9E] =	sst lr;
	_ =	strace $0xD0000000  }
0x3: {  	_ = 	snop  }
0x4: {  	_ = 	snop  }
0x5: {  	_ = 	snop  }
0x6: {  	_ = 	snop  }
0x7: {  	_ = 	snop  }
__scs_overlays_trampoline_lowered:
0x8: {  	[smem:$0x3FAD] =	sst s0  }
0x9: {  	[smem:$0x3FAE] =	sst s1  }
0xa: {  	[smem:$0x3FAF] =	sst s2  }
0xb: {  	[smem:$0x3FB0] =	sst s3  }
0xc: {  	[smem:$0x3FB1] =	sst s4  }
0xd: {  	[smem:$0x3FB2] =	sst s5  }
0xe: {  	[smem:$0x3FB3] =	sst s6  }
0xf: {  	[smem:$0x3FB4] =	sst s7  }
0x10: {  	[smem:$0x3FB5] =	sst s8  }
0x11: {  	[smem:$0x3FB6] =	sst s9;
	s0 =	simm.s32 @!p0 $0x0  }
0x12: {  	s1 =	sld [smem:$0x3F9C];
	s0 =	simm.s32 @p0 $0x1  }
0x13: {  	[smem:$0x3FB7] =	sst s0;
	s0 =	simm.s32 @!p1 $0x0  }
0x14: {  	s2 =	sld [smem:$0x3F9B];
	s0 =	simm.s32 @p1 $0x1  }
0x15: {  	[smem:$0x3FB8] =	sst s0;
	s0 =	simm.s32 @!p2 $0x0  }
0x16: {  	s3 =	sld [smem:$0x3FDB];
	s0 =	simm.s32 @p2 $0x1  }
0x17: {  	s4 =	simm.s32 $0x1BF5;
	[smem:$0x3FBA] =	sst s0  }
0x18: {  	s0 =	sld [smem:$0x3F9D];
	_ =	swait.ge [sflag:s4], $0x0  }
0x19: {  	s7 =	sld [smem:$0x3F9E]  }
0x1a: {  	s8 =	sadd.s32 $0xFFFFE003, lr  }
0x1b: {  	s9 =	sadd.s32 $0xFFFFFEF7, lr;
	s5 =	simm.s32 $0xFFFFFFFF;
	p2 =	slt.u32 s8, $0xFFFFF086  }
0x1c: {  	p1 =	slt.u32 s9, $0xF7A;
	s5 =	simm.s32 @!p2 $0x0  }
0x1d: {  	s5 =	simm.s32 @p1 $0x1;
	p0 =	seq.s32 s7, s2  }
0x1e: {  	s7 =	smul.u32 @!p0 $0xF7A, s2;
	p2 =	seq.s32 @!p0 s5, $0x0  }
0x1f: {  	s9 =	smul.u32 $0xF7A, s1;
	s8 =	simm.s32 @!p0 $0x1BF5;
	p2 =	por !p2, p0  }
0x20: {  	[sflag:s8] =	ssyncset.s32 @!p0 $0xFFFFF086;
	s6 =	sadd.s32 @!p0 s3, s7;
	s7 =	simm.s32 @!p0 $0x108  }
0x21: {  	s3 =	sadd.s32 s3, s9;
	s6 =	sadd.s32 @!p0 $0x88, s6;
	s7 =	simm.s32 @p2 $0x1082  }
0x22: {  	[simem:s7], [sflag:s8] =	dma.local @!p0 [hbm:s6], $0xF7A  }
0x23: {  	s9 =	sor.u32 $0xD0000000, s2;
	s6 =	simm.s32 $0x108;
	_ =	swait.ge @!p0 [sflag:s8], $0x0  }
0x24: {  	s3 =	sadd.s32 $0x88, s3;
	s6 =	simm.s32 @!p1 $0x1082;
	[sflag:s4] =	ssyncset.s32 $0xFFFFF086  }
0x25: {  	[simem:s6], [sflag:s4] =	dma.local [hbm:s3], $0xF7A  }
0x26: {  	[smem:$0x3F9E] =	sst s1;
	(tag) =	ssettag s2;
	_ =	strace s9  }
0x27: {  	s1 =	sld [smem:$0x3FAE]  }
0x28: {  	s2 =	sld [smem:$0x3FAF]  }
0x29: {  	s4 =	sld [smem:$0x3FB1]  }
0x2a: {  	p0 =	seq.s32 s5, $0x0;
	s5 =	sld [smem:$0x3FB2]  }
0x2b: {  	s6 =	sld [smem:$0x3FB3]  }
0x2c: {  	s7 =	sld [smem:$0x3FB4]  }
0x2d: {  	s3 =	simm.s32 $0x108;
	s8 =	sld [smem:$0x3FB5]  }
0x2e: {  	s3 =	simm.s32 @!p0 $0x1082;
	s9 =	sld [smem:$0x3FB6]  }
0x2f: {  	lr =	sadd.s32 s0, s3;
	s0 =	sld [smem:$0x3FAD]  }
0x30: {  	s3 =	sld [smem:$0x3FB0]  }
0x31: {  	[smem:$0x3FB9] =	sst s10  }
0x32: {  	s10 =	sld [smem:$0x3FB7];
	_ =	sdelay $0x3  }
0x33: {  	p0 =	seq.s32 s10, $0x1;
	s10 =	sld [smem:$0x3FB9];
	_ =	sdelay $0x3  }
0x34: {  	[smem:$0x3FB9] =	sst s10  }
0x35: {  	s10 =	sld [smem:$0x3FB8];
	_ =	sdelay $0x3  }
0x36: {  	p1 =	seq.s32 s10, $0x1;
	s10 =	sld [smem:$0x3FB9];
	_ =	sdelay $0x3  }
0x37: {  	[smem:$0x3FB9] =	sst s10  }
0x38: {  	s10 =	sld [smem:$0x3FBA]  }
0x39: {  	_ = 	snop;
	(pc) =	sbr.ind lr, $3  }
0x3a: {  	_ = 	snop  }
0x3b: {  	_ = 	snop  }
0x3c: {  	p2 =	seq.s32 s10, $0x1;
	s10 =	sld [smem:$0x3FB9]  }
0x3d: {  	_ =	shalt  }
0x3e: {  	_ =	shalt  }
0x3f: {  	_ =	shalt  }
0x40: {  	_ =	shalt  }
0x41: {  	_ =	shalt  }
0x42: {  	_ =	shalt  }
0x43: {  	_ =	shalt  }
0x44: {  	_ =	shalt  }
0x45: {  	_ =	shalt  }
0x46: {  	_ =	shalt  }
0x47: {  	_ =	shalt  }
0x48: {  	_ =	shalt  }
0x49: {  	_ =	shalt  }
0x4a: {  	_ =	shalt  }
0x4b: {  	_ =	shalt  }
0x4c: {  	_ =	shalt  }
0x4d: {  	_ =	shalt  }
0x4e: {  	_ =	shalt  }
0x4f: {  	_ =	shalt  }
0x50: {  	_ =	shalt  }
0x51: {  	_ =	shalt  }
0x52: {  	_ =	shalt  }
0x53: {  	_ =	shalt  }
0x54: {  	_ =	shalt  }
0x55: {  	_ =	shalt  }
0x56: {  	_ =	shalt  }
0x57: {  	_ =	shalt  }
0x58: {  	_ =	shalt  }
0x59: {  	_ =	shalt  }
0x5a: {  	_ =	shalt  }
0x5b: {  	_ =	shalt  }
0x5c: {  	_ =	shalt  }
0x5d: {  	_ =	shalt  }
0x5e: {  	_ =	shalt  }
0x5f: {  	_ =	shalt  }
0x60: {  	_ =	shalt  }
0x61: {  	_ =	shalt  }
0x62: {  	_ =	shalt  }
0x63: {  	_ =	shalt  }
0x64: {  	_ =	shalt  }
0x65: {  	_ =	shalt  }
0x66: {  	_ =	shalt  }
0x67: {  	_ =	shalt  }
0x68: {  	_ =	shalt  }
0x69: {  	_ =	shalt  }
0x6a: {  	_ =	shalt  }
0x6b: {  	_ =	shalt  }
0x6c: {  	_ =	shalt  }
0x6d: {  	_ =	shalt  }
0x6e: {  	_ =	shalt  }
0x6f: {  	_ =	shalt  }
0x70: {  	_ =	shalt  }
0x71: {  	_ =	shalt  }
0x72: {  	_ =	shalt  }
0x73: {  	_ =	shalt  }
0x74: {  	_ =	shalt  }
0x75: {  	_ =	shalt  }
0x76: {  	_ =	shalt  }
0x77: {  	_ =	shalt  }
0x78: {  	_ =	shalt  }
0x79: {  	_ =	shalt  }
0x7a: {  	_ =	shalt  }
0x7b: {  	_ =	shalt  }
0x7c: {  	_ =	shalt  }
0x7d: {  	_ =	shalt  }
0x7e: {  	_ =	shalt  }
0x7f: {  	_ =	shalt  }
0x80: {  	_ =	shalt  }
0x81: {  	_ =	shalt  }
0x82: {  	_ =	shalt  }
0x83: {  	_ =	shalt  }
0x84: {  	_ =	shalt  }
0x85: {  	_ =	shalt  }
0x86: {  	_ =	shalt  }
0x87: {  	_ =	shalt  }
.Lfunc_end0:
.L_simem_size_0:
called_computation_lowered:
.L_overlay_start_0:
0x88: {  	s2 =	sld [smem:$0x3FD9]  }
0x89: {  	s3 =	sld [smem:$0x3FFE];
	_ =	sdelay $0x1  }
0x8a: {  	s1 =	srdreg.scid  }
0x8b: {  	s0 =	sand.u32 $0x1, s1  }
0x8c: {  	s14 =	sshll.u32 s0, $0xA;
	s2 =	sadd.s32 s3, s2  }
0x8d: {  	s2 =	sadd.s32 s2, s14  }
0x8e: {  	[smem:$0x3FC5] =	sst s2  }
0x8f: {  	_ = 	snop  }
0x90: {  	s2 =	sld [smem:$0x3FD0];
	_ =	sdelay $0x2  }
0x91: {  	s4 =	simm.s32 $0xA;
	s5 =	simm.s32 $0x10;
	s15 =	sld [smem:$0x3FC9]  }
0x92: {  	[smem:s5], [sflag:s4] =	dma.local [hbm:s2], $0x1  }
0x93: {  	_ =	swait.eq [sflag:s4], $0x1  }
0x94: {  	[sflag:s4] =	ssyncset.done $0x0  }
0x95: {  	[sflag:s4] =	ssyncadd.s32 $0xFFFFFFFF  }
0x96: {  	s16 =	sld [smem:$0x12];
	(tm) =	ssettm $0x1  }
0x97: {  	s17 =	sld [smem:$0x3FFB];
	_ =	sdelay $0x3  }
0x98: {  	_ =	strace s17  }
0x99: {  	s4 =	sld [smem:$0x3FFC];
	_ =	sdelay $0x3  }
0x9a: {  	_ =	strace s4  }
0x9b: {  	s4 =	sld [smem:$0x3FFD];
	_ =	sdelay $0x3  }
0x9c: {  	_ =	strace s4  }
0x9d: {  	_ =	strace $0x8FFFFFFF  }
0x9e: {  	s18 =	sld [smem:$0x3FDB];
	_ =	sdelay $0x1  }
0x9f: {  	s19 =	simm.s32 $_scs_section_size  }
0xa0: {  	s6 =	simm.s32 $_size__tile_overlayer_lowered;
	s7 =	simm.s32 $_tile_overlayer_lowered  }
0xa1: {  	s22 =	simm.s32 $0x1BFF;
	s21 =	sshll.u32 s7, $0x1;
	s4 =	sadd.s32 s19, s18  }
0xa2: {  	s8 =	simm.s32 $0x0;
	s20 =	sshll.u32 s6, $0x1;
	s6 =	sadd.s32 s21, s4  }
0xa3: {  	[timem:s8], [sflag:s22] =	dma.local [hbm:s6], s20  }
0xa4: {  	_ =	swait.ge [sflag:s22], s20  }
0xa5: {  	s5 =	ssub.s32 $0x0, s20;
	[sflag:s22] =	ssyncset.done $0x0  }
0xa6: {  	[sflag:s22] =	ssyncadd.s32 s5;
	_ =	sdelay $0x1  }
0xa7: {  	s23 =	simm.s32 $0x1B8B  }
0xa8: {  	_ =	swait.ge [sflag:s23], $0x1  }
0xa9: {  	[sflag:s23] =	ssyncset.done $0x0  }
0xaa: {  	s25 =	simm.s32 $0x1B8E;
	s24 =	sld [smem:$0x3FFE];
	[sflag:s23] =	ssyncadd.s32 $0xFFFFFFFF  }
0xab: {  	s26 =	simm.s32 $execute0_lowered;
	[smem:$0x3FD2] =	sst s25  }
0xac: {  	s6 =	sshll.u32 s26, $0x1;
	_ =	strace $0x80000046;
	[dreg:$0x1] =	wrdreg $0xFFFFFFFF  }
0xad: {  	s28 =	simm.s32 $_size_execute0_lowered;
	s4 =	sadd.s32 s4, s6;
	[dreg:$0x0] =	wrdreg $0x0  }
0xae: {  	s6 =	sshll.u32 s28, $0x1;
	[dreg:$0x2] =	wrdreg s4  }
0xaf: {  	[dreg:$0x3] =	wrdreg s6  }
0xb0: {  	[dreg:$0x4] =	wrdreg $0xC0  }
0xb1: {  	_ =	task [dreg:s8], $0x5FFFF  }
0xb2: {  	[dreg:$0x1] =	wrdreg $0xFFFFFFFF  }
0xb3: {  	[dreg:$0x0] =	wrdreg $0x60  }
0xb4: {  	[dreg:$0x2] =	wrdreg s15  }
0xb5: {  	[dreg:$0x3] =	wrdreg s24  }
0xb6: {  	[dreg:$0x4] =	wrdreg s16  }
0xb7: {  	[dreg:$0x5] =	wrdreg $0x9  }
0xb8: {  	_ =	task.clear_ibuf [dreg:s8], $0x6FFFF;
	_ =	strace $0x90000046  }
0xb9: {  	s29 =	simm.s32 $0x9;
	_ =	strace $0x80000048  }
0xba: {  	_ =	swait.ge [sflag:s29], $0x1  }
0xbb: {  	[sflag:s29] =	ssyncadd.s32 $0xFFFFFFFF  }
0xbc: {  	_ =	strace $0x90000048  }
0xbd: {  	_ =	sfence  }
0xbe: {  	s30 =	sld [smem:$0x0];
	_ =	sdelay $0x2  }
0xbf: {  	s31 =	sshll.u32 s1, $0xD;
	s1 =	sshrl.u32 s1, $0x2  }
0xc0: {  	s3 =	sand.u32 $0x4000, s31;
	s1 =	sadd.s32 s1, s30  }
0xc1: {  	s0 =	sor.u32 s3, s0;
	s1 =	sshll.u32 s1, $0x11  }
0xc2: {  	s0 =	sor.u32 s1, s0  }
0xc3: {  	s0 =	sadd.s32 $0x8F2B, s0  }
0xc4: {  	[sflag:s0] =	ssyncadd.remote.s32 $0x1  }
0xc5: {  	_ =	sfence.sel $0xFFFF  }
0xc6: {  	[dreg:$0x0] =	wrdreg $0xFFFFFFFF;
	(pc) =	sbr.abs _section_cstart, $3  }
0xc7: {  	[dreg:$0x1] =	wrdreg $0xFFFFFFFF  }
0xc8: {  	_ =	task.clear_ibuf [dreg:s8], $0x2FFFF;
	_ =	strace $0x9FFFFFFF  }
0xc9: {  	(tm) =	ssettm $0x7FFFFFFF  }
tec
execute0_lowered:
.L_overlay_start_1:
0x0: {  	(tag) =	ssettag $0x1  }
0x1: {  	s1 =	rddreg [dreg:$0x0]  }
0x2: {  	s5 =	rddreg [dreg:$0x1]  }
0x3: {  	s6 =	rddreg [dreg:$0x2];
	s3 =	simm.s32 $0x0;
	s4 =	srdreg.scid  }
0x4: {  	s0 =	stileid.u32;
	s10 =	simm.s32 $0x4000;
	s11 =	simm.s32 $0x10200  }
0x5: {  	s12 =	simm.s32 $0x4;
	s13 =	simm.s32 $0x10600;
	s14 =	simm.s32 $0x10000  }
0x6: {  	s15 =	simm.s32 $0x20;
	s16 =	simm.s32 $0x10400;
	s17 =	simm.s32 $0x2000  }
0x7: {  	s18 =	simm.s32 $0x10800;
	s19 =	simm.s32 $0x10A00;
	s20 =	simm.s32 $0x6000  }
0x8: {  	s21 =	simm.s32 $0x3;
	s22 =	simm.s32 $0x10C00;
	s23 =	simm.s32 $0x10C80  }
0x9: {  	s24 =	simm.s32 $0x0;
	s7 =	sand.u32 $0x1, s4;
	s30 =	sshll.u32 s0, $0x1  }
0xa: {  	[smem:$0x7FF] =	sst s3;
	s4 =	sadd.s32 $0x2C00, s5;
	s8 =	sor.u32 s7, s30  }
0xb: {  	_ =	strace $0x80000047;
	s7 =	ssub.s32 $0x2, s7;
	s9 =	sshll.u32 s8, $0x6  }
0xc: {  	s31 =	sshrl.u32 s7, $0x1;
	s8 =	sshll.u32 s8, $0x4;
	s5 =	sadd.s32 s9, s5  }
0xd: {  	s9 =	ssub.s32 s7, s31;
	s6 =	sadd.s32 s6, s8;
	s5 =	sadd.s32 $0x400, s5  }
0xe: {  	s7 =	sadd.s32 $0x200, s6;
	s8 =	smax.u32 s9, $0x1;
	s9 =	simm.s32 $0x200  }
.LBB2_1:
0xf: {  	[tilespmem:s11], [sflag:$0x4] =	stream.strided.gather [hbm4b:s5+s9], $0xA00, s10, s9, $0x38;
	[tilespmem:$0x10D00] =	vst v63  }
0x10: {  	_ =	swait.ge [sflag:s12], $0xA00  }
0x11: {  	[sflag:s12] =	ssyncset.done $0x0  }
0x12: {  	[sflag:s12] =	ssyncadd.s32 $0xFFFFF600  }
0x13: {  	[tilespmem:s14], [sflag:$0x3] =	stream.indirect.gather [hbm4b:s4+s9], $0x1, s13, s9, $0xb8;
	[tilespmem:$0x10D00] =	vst v63  }
0x14: {  	_ = 	snop  }
0x15: {  	[tilespmem:s3], [sflag:$0x1] =	stream.indirect.gather [hbm4b:s1+s15], $0x100, s11, s15, $0xb8;
	[tilespmem:$0x10D00] =	vst v63  }
0x16: {  	_ = 	snop  }
0x17: {  	[tilespmem:s17], [sflag:$0x1] =	stream.indirect.gather [hbm4b:s1+s15], $0x100, s16, s15, $0xb8;
	[tilespmem:$0x10D00] =	vst v63  }
0x18: {  	_ = 	snop  }
0x19: {  	v3 =	vimm.f32 $0.0e+00;
	[tilespmem:s10], [sflag:$0x1] =	stream.indirect.gather [hbm4b:s1+s15], $0x100, s18, s15, $0xb8;
	[tilespmem:$0x10D00] =	vst v63  }
0x1a: {  	v1 =	vimm.f32 $0.0e+00;
	v2 =	vimm.f32 $0.0e+00;
	v15 =	vimm.f32 $0.0e+00  }
0x1b: {  	v14 =	vimm.f32 $0.0e+00;
	v13 =	vimm.f32 $0.0e+00;
	v12 =	vimm.f32 $0.0e+00;
	[tilespmem:s20], [sflag:$0x1] =	stream.indirect.gather [hbm4b:s1+s15], $0x100, s19, s15, $0xb8;
	[tilespmem:$0x10D00] =	vst v63  }
0x1c: {  	v11 =	vimm.f32 $0.0e+00;
	v10 =	vimm.f32 $0.0e+00;
	v9 =	vimm.f32 $0.0e+00;
	_ =	swait.ge [sflag:s21], $0x200  }
0x1d: {  	v8 =	vimm.f32 $0.0e+00;
	v7 =	vimm.f32 $0.0e+00;
	v6 =	vimm.f32 $0.0e+00;
	p0 =	por $0x0, $0x0;
	[sflag:s21] =	ssyncset.done $0x0  }
0x1e: {  	s25 =	simm.s32 $0x0;
	v5 =	vimm.f32 $0.0e+00;
	v4 =	vimm.f32 $0.0e+00;
	v16 =	vimm.f32 $0.0e+00;
	s26 =	simm.s32 $0x0;
	[sflag:s21] =	ssyncadd.s32 $0xFFFFFE00  }
.LBB2_2:
0x1f: {  	p1 =	seq.s32 s26, $0xF  }
0x20: {  	s28 =	sadd.s32 @!p1 $0x1, s26  }
0x21: {  	s0 =	simm.s32 @!p1 $0x20;
	s29 =	sand.u32 @!p1 $0x1, s28;
	s28 =	sshll.u32 @!p1 s28, $0x5  }
0x22: {  	s30 =	sshll.u32 @!p1 s29, $0xF;
	s31 =	sadd.s32 @!p1 $0x10200, s28;
	s29 =	sadd.s32 @!p1 $0x1, s29  }
0x23: {  	[tilespmem:s30], [sflag:s29] =	stream.indirect.gather @!p1 [hbm4b:s1+s0], $0x100, s31, s0, $0xb8;
	[tilespmem:$0x10D00] =	vst v63  }
0x24: {  	s2 =	sadd.s32 @!p1 $0x10400, s28;
	s31 =	sor.u32 @!p1 $0x2000, s30  }
0x25: {  	[tilespmem:s31], [sflag:s29] =	stream.indirect.gather @!p1 [hbm4b:s1+s0], $0x100, s2, s0, $0xb8;
	[tilespmem:$0x10D00] =	vst v63  }
0x26: {  	s2 =	sor.u32 @!p1 $0x4000, s30;
	s31 =	sadd.s32 @!p1 $0x10800, s28  }
0x27: {  	[tilespmem:s2], [sflag:s29] =	stream.indirect.gather @!p1 [hbm4b:s1+s0], $0x100, s31, s0, $0xb8;
	[tilespmem:$0x10D00] =	vst v63  }
0x28: {  	s28 =	sadd.s32 @!p1 $0x10A00, s28;
	s2 =	sor.u32 @!p1 $0x6000, s30;
	s31 =	sand.u32 $0x1, s26  }
0x29: {  	[tilespmem:s2], [sflag:s29] =	stream.indirect.gather @!p1 [hbm4b:s1+s0], $0x100, s28, s0, $0xb8;
	[tilespmem:$0x10D00] =	vst v63  }
0x2a: {  	s0 =	sadd.s32 $0x1, s31  }
0x2b: {  	_ =	swait.ge [sflag:s0], $0x2000  }
0x2c: {  	[sflag:s0] =	ssyncset.done $0x0  }
0x2d: {  	[sflag:s0] =	ssyncadd.s32 $0xFFFFE000  }
0x2e: {  	_ =	swait.ge [sflag:s0], $0x2000  }
0x2f: {  	[sflag:s0] =	ssyncset.done $0x0  }
0x30: {  	[sflag:s0] =	ssyncadd.s32 $0xFFFFE000  }
0x31: {  	_ =	swait.ge [sflag:s0], $0x2000  }
0x32: {  	v0 =	vmov s25;
	[sflag:s0] =	ssyncset.done $0x0  }
0x33: {  	[sflag:s0] =	ssyncadd.s32 $0xFFFFE000  }
0x34: {  	_ =	swait.ge [sflag:s0], $0x2000  }
0x35: {  	[sflag:s0] =	ssyncset.done $0x0  }
0x36: {  	[sflag:s0] =	ssyncadd.s32 $0xFFFFE000  }
0x37: {  	v17 =	vld.idx.msk [tilespmem:v0+s14+$0x0], $0xffff;
	_ =	sdelay $0x2  }
0x38: {  	s0 =	simm.s32 $0x1  }
0x39: {  	s0 =	simm.s32 @!p0 $0x0  }
0x3a: {  	s0 =	sshll.u32 s0, $0xF;
	v18 =	vmul.f32 v17, v17  }
0x3b: {  	v0 =	vmov s0  }
0x3c: {  	v19 =	vmul.f32 $-1.388888920e-03, v18;
	_ =	sdelay $0x1  }
0x3d: {  	v20 =	vmul.f32 $8.333333770e-03, v18;
	v19 =	vadd.f32 $4.166666790e-02, v19  }
0x3e: {  	s28 =	simm.s32 $0x0  }
0x3f: {  	v21 =	vld.idx.msk [tilespmem:v0+s28+$0x4070 ss:$0x1], $0xffff;
	v20 =	vadd.f32 $-1.666666720e-01, v20;
	v19 =	vmul.f32 v19, v18  }
0x40: {  	v22 =	vld.idx.msk [tilespmem:v0+s28+$0x40F0 ss:$0x1], $0xffff  }
0x41: {  	v23 =	vld.idx.msk [tilespmem:v0+s28+$0x0 ss:$0x1], $0xffff;
	v20 =	vmul.f32 v20, v18;
	v19 =	vadd.f32 $-5.000000000e-01, v19  }
0x42: {  	v24 =	vld.idx.msk [tilespmem:v0+s28+$0x80 ss:$0x1], $0xffff  }
0x43: {  	v25 =	vld.idx.msk [tilespmem:v0+s28+$0x10 ss:$0x1], $0xffff;
	v20 =	vadd.f32 $1.000000000e+00, v20;
	v19 =	vmul.f32 v19, v18  }
0x44: {  	v29 =	vld.idx.msk [tilespmem:v0+s28+$0x20 ss:$0x1], $0xffff  }
0x45: {  	v31 =	vld.idx.msk [tilespmem:v0+s28+$0xA0 ss:$0x1], $0xffff;
	v18 =	vmul.f32 v20, v17;
	v19 =	vadd.f32 $1.000000000e+00, v19  }
0x46: {  	v33 =	vld.idx.msk [tilespmem:v0+s28+$0x30 ss:$0x1], $0xffff  }
0x47: {  	v35 =	vld.idx.msk [tilespmem:v0+s28+$0xD0 ss:$0x1], $0xffff;
	v27 =	vmul.f32 v22, v18;
	v28 =	vmul.f32 v21, v19  }
0x48: {  	v37 =	vld.idx.msk [tilespmem:v0+s28+$0x60 ss:$0x1], $0xffff;
	v21 =	vmul.f32 v21, v18;
	v22 =	vmul.f32 v22, v19  }
0x49: {  	v39 =	vld.idx.msk [tilespmem:v0+s28+$0x70 ss:$0x1], $0xffff;
	v30 =	vmul.f32 v19, v23;
	v32 =	vmul.f32 v19, v25  }
0x4a: {  	v42 =	vld.idx.msk [tilespmem:v0+s28+$0xF0 ss:$0x1], $0xffff;
	v23 =	vmul.f32 v18, v23;
	v25 =	vmul.f32 v18, v25  }
0x4b: {  	v63 =	vld.idx.msk [tilespmem:v0+s28+$0x4000 ss:$0x1], $0xffff;
	v34 =	vmul.f32 v29, v19;
	v62 =	vmul.f32 v31, v19  }
0x4c: {  	v55 =	vld.idx.msk [tilespmem:v0+s28+$0x4080 ss:$0x1], $0xffff;
	v31 =	vmul.f32 v31, v18;
	v36 =	vmul.f32 v33, v19  }
0x4d: {  	v46 =	vld.idx.msk [tilespmem:v0+s28+$0x4020 ss:$0x1], $0xffff;
	v33 =	vmul.f32 v33, v18;
	v54 =	vmul.f32 v35, v19  }
0x4e: {  	v17 =	vld.idx.msk [tilespmem:v0+s28+$0x6070 ss:$0x1], $0xffff;
	v44 =	vmul.f32 v37, v19;
	v56 =	vmul.f32 v39, v19  }
0x4f: {  	v20 =	vld.idx.msk [tilespmem:v0+s28+$0x60F0 ss:$0x1], $0xffff;
	v57 =	vmul.f32 v42, v19;
	v37 =	vmul.f32 v37, v18  }
0x50: {  	v26 =	vld.idx.msk [tilespmem:v0+s28+$0x90 ss:$0x1], $0xffff;
	v58 =	vmul.f32 v63, v19;
	v42 =	vmul.f32 v42, v18  }
0x51: {  	v53 =	vld.idx.msk [tilespmem:v0+s28+$0x40D0 ss:$0x1], $0xffff;
	v59 =	vmul.f32 v55, v19;
	v27 =	vsub.f32 v28, v27;
	v28 =	vmul.f32 v19, v24  }
0x52: {  	v21 =	vadd.f32 v22, v21;
	v22 =	vmul.f32 v18, v24;
	v24 =	vld.idx.msk [tilespmem:v0+s28+$0xB0 ss:$0x1], $0xffff;
	v31 =	vsub.f32 v34, v31  }
0x53: {  	v34 =	vmul.f32 v63, v18;
	v63 =	vmul.f32 v46, v19;
	v17 =	vsub.f32 v27, v17;
	v27 =	vld.idx.msk [tilespmem:v0+s28+$0x40 ss:$0x1], $0xffff  }
0x54: {  	v46 =	vmul.f32 v46, v18;
	v20 =	vsub.f32 v21, v20;
	v22 =	vsub.f32 v30, v22;
	v30 =	vld.idx.msk [tilespmem:v0+s28+$0xC0 ss:$0x1], $0xffff  }
0x55: {  	v21 =	vmul.f32 v18, v26;
	v26 =	vmul.f32 v19, v26;
	v23 =	vadd.f32 v28, v23;
	v28 =	vld.idx.msk [tilespmem:v0+s28+$0x50 ss:$0x1], $0xffff  }
0x56: {  	v34 =	vadd.f32 v59, v34;
	v59 =	vmul.f32 v53, v19;
	v53 =	vmul.f32 v53, v18  }
0x57: {  	v50 =	vld.idx.msk [tilespmem:v0+s28+$0x4040 ss:$0x1], $0xffff;
	v17 =	vmul.f32 v17, v17;
	v20 =	vmul.f32 v20, v20  }
0x58: {  	v25 =	vadd.f32 v26, v25;
	v26 =	vmul.f32 v24, v19;
	v24 =	vmul.f32 v24, v18  }
0x59: {  	v45 =	vld.idx.msk [tilespmem:v0+s28+$0x4010 ss:$0x1], $0xffff;
	v17 =	vadd.f32 v20, v17;
	v20 =	vmul.f32 v29, v18;
	v38 =	vmul.f32 v27, v19  }
0x5a: {  	v21 =	vsub.f32 v32, v21;
	v41 =	vmul.f32 v30, v19;
	v43 =	vmul.f32 v28, v19  }
0x5b: {  	v47 =	vld.idx.msk [tilespmem:v0+s28+$0x40A0 ss:$0x1], $0xffff;
	v30 =	vmul.f32 v30, v18;
	v27 =	vmul.f32 v27, v18;
	v26 =	vadd.f32 v26, v33  }
0x5c: {  	v51 =	vld.idx.msk [tilespmem:v0+s28+$0x40C0 ss:$0x1], $0xffff;
	v28 =	vmul.f32 v28, v18;
	v33 =	vsub.f32 v56, v42;
	v56 =	vmul.f32 v50, v19  }
0x5d: {  	v29 =	vld.idx.msk [tilespmem:v0+s28+$0xE0 ss:$0x1], $0xffff;
	v50 =	vmul.f32 v50, v18;
	v40 =	vshra.s32 v17, $0x1;
	v20 =	vadd.f32 v62, v20  }
0x5e: {  	v61 =	vld.idx.msk [tilespmem:v0+s28+$0x4090 ss:$0x1], $0xffff;
	v62 =	vmul.f32 v39, v18;
	v39 =	vmul.f32 v45, v19;
	v40 =	vsub.s32 $0x5F3759DF, v40  }
0x5f: {  	v52 =	vld.idx.msk [tilespmem:v0+s28+$0x4050 ss:$0x1], $0xffff;
	v30 =	vsub.f32 v38, v30;
	v27 =	vadd.f32 v41, v27;
	v17 =	vmul.f32 v40, v17  }
0x60: {  	v48 =	vld.idx.msk [tilespmem:v0+s28+$0x4030 ss:$0x1], $0xffff;
	v40 =	vmul.f32 v55, v18;
	v32 =	vadd.f32 v57, v62;
	v62 =	vmul.f32 v47, v18  }
0x61: {  	v49 =	vld.idx.msk [tilespmem:v0+s28+$0x40B0 ss:$0x1], $0xffff;
	v28 =	vadd.f32 v54, v28;
	v57 =	vmul.f32 v51, v19;
	v51 =	vmul.f32 v51, v18  }
0x62: {  	v54 =	vld.idx.msk [tilespmem:v0+s28+$0x4060 ss:$0x1], $0xffff;
	v60 =	vmul.f32 v29, v19;
	v29 =	vmul.f32 v29, v18;
	v17 =	vadd.f32 v17, v3  }
0x63: {  	v41 =	vld.idx.msk [tilespmem:v0+s28+$0x2090 ss:$0x1], $0xffff;
	v3 =	vsub.f32 v36, v24;
	v24 =	vmul.f32 v35, v18;
	v36 =	vmul.f32 v61, v18  }
0x64: {  	v55 =	vld.idx.msk [tilespmem:v0+s28+$0x40E0 ss:$0x1], $0xffff;
	v40 =	vsub.f32 v58, v40;
	v58 =	vmul.f32 v52, v19;
	v51 =	vsub.f32 v56, v51  }
0x65: {  	v52 =	vmul.f32 v52, v18;
	v56 =	vld.idx.msk [tilespmem:v0+s28+$0x20B0 ss:$0x1], $0xffff;
	v50 =	vadd.f32 v57, v50;
	v29 =	vsub.f32 v44, v29  }
0x66: {  	v57 =	vld.idx.msk [tilespmem:v0+s28+$0x6080 ss:$0x1], $0xffff;
	v44 =	vmul.f32 v61, v19;
	v35 =	vadd.f32 v60, v37;
	v60 =	vmul.f32 v47, v19  }
0x67: {  	v61 =	vmul.f32 v45, v18;
	v45 =	vmul.f32 v48, v19;
	v37 =	vsub.f32 v63, v62;
	v63 =	vld.idx.msk [tilespmem:v0+s28+$0x20A0 ss:$0x1], $0xffff  }
0x68: {  	v47 =	vmul.f32 v49, v19;
	v49 =	vmul.f32 v49, v18;
	v62 =	vld.idx.msk [tilespmem:v0+s28+$0x20D0 ss:$0x1], $0xffff;
	v24 =	vsub.f32 v43, v24  }
0x69: {  	v48 =	vmul.f32 v48, v18;
	v43 =	vld.idx.msk [tilespmem:v0+s28+$0x2000 ss:$0x1], $0xffff;
	v36 =	vsub.f32 v39, v36;
	v53 =	vsub.f32 v58, v53  }
0x6a: {  	v39 =	vld.idx.msk [tilespmem:v0+s28+$0x2080 ss:$0x1], $0xffff;
	v52 =	vadd.f32 v59, v52;
	v42 =	vadd.f32 v60, v46;
	v60 =	vmul.f32 v54, v19  }
0x6b: {  	v38 =	vadd.f32 v44, v61;
	v44 =	vld.idx.msk [tilespmem:v0+s28+$0x2010 ss:$0x1], $0xffff;
	v19 =	vmul.f32 v55, v19;
	v55 =	vmul.f32 v55, v18  }
0x6c: {  	v25 =	vsub.f32 v25, v41;
	v46 =	vld.idx.msk [tilespmem:v0+s28+$0x2020 ss:$0x1], $0xffff;
	v45 =	vsub.f32 v45, v49;
	v18 =	vmul.f32 v54, v18  }
0x6d: {  	v47 =	vadd.f32 v47, v48;
	v48 =	vld.idx.msk [tilespmem:v0+s28+$0x2030 ss:$0x1], $0xffff;
	v55 =	vsub.f32 v60, v55  }
0x6e: {  	v54 =	vld.idx.msk [tilespmem:v0+s28+$0x2040 ss:$0x1], $0xffff;
	v18 =	vadd.f32 v19, v18;
	v26 =	vsub.f32 v26, v56  }
0x6f: {  	v61 =	vld.idx.msk [tilespmem:v0+s28+$0x20C0 ss:$0x1], $0xffff;
	v34 =	vsub.f32 v34, v57;
	v20 =	vsub.f32 v20, v63  }
0x70: {  	v25 =	vmul.f32 v25, v25;
	v63 =	vld.idx.msk [tilespmem:v0+s28+$0x2060 ss:$0x1], $0xffff;
	v28 =	vsub.f32 v28, v62;
	v19 =	vsub.f32 v22, v43  }
0x71: {  	v22 =	vsub.f32 v23, v39;
	v23 =	vld.idx.msk [tilespmem:v0+s28+$0x2050 ss:$0x1], $0xffff;
	v26 =	vmul.f32 v26, v26;
	v21 =	vsub.f32 v21, v44  }
0x72: {  	v49 =	vld.idx.msk [tilespmem:v0+s28+$0x20E0 ss:$0x1], $0xffff;
	v31 =	vsub.f32 v31, v46;
	v3 =	vsub.f32 v3, v48;
	v20 =	vmul.f32 v20, v20  }
0x73: {  	v56 =	vld.idx.msk [tilespmem:v0+s28+$0x20F0 ss:$0x1], $0xffff;
	v30 =	vsub.f32 v30, v54;
	v19 =	vmul.f32 v19, v19;
	v22 =	vmul.f32 v22, v22  }
0x74: {  	v54 =	vld.idx.msk [tilespmem:v0+s28+$0x2070 ss:$0x1], $0xffff;
	v27 =	vsub.f32 v27, v61;
	v21 =	vmul.f32 v21, v21;
	v31 =	vmul.f32 v31, v31  }
0x75: {  	v3 =	vmul.f32 v3, v3;
	v22 =	vadd.f32 v22, v19;
	v19 =	vsub.f32 v29, v63  }
0x76: {  	v59 =	vld.idx.msk [tilespmem:v0+s28+$0x6020 ss:$0x1], $0xffff;
	v30 =	vmul.f32 v30, v30;
	v23 =	vsub.f32 v24, v23;
	v25 =	vadd.f32 v25, v21  }
0x77: {  	v27 =	vmul.f32 v27, v27;
	v24 =	vld.idx.msk [tilespmem:v0+s28+$0x6000 ss:$0x1], $0xffff;
	v21 =	vsub.f32 v35, v49;
	v31 =	vadd.f32 v20, v31  }
0x78: {  	v29 =	vld.idx.msk [tilespmem:v0+s28+$0x6010 ss:$0x1], $0xffff;
	v26 =	vadd.f32 v26, v3;
	v3 =	vsub.f32 v32, v56  }
0x79: {  	v28 =	vmul.f32 v28, v28;
	v27 =	vadd.f32 v27, v30;
	v20 =	vsub.f32 v33, v54  }
0x7a: {  	v58 =	vld.idx.msk [tilespmem:v0+s28+$0x6090 ss:$0x1], $0xffff;
	v19 =	vmul.f32 v19, v19;
	v35 =	vshra.s32 v22, $0x1;
	v23 =	vmul.f32 v23, v23  }
0x7b: {  	v60 =	vld.idx.msk [tilespmem:v0+s28+$0x60A0 ss:$0x1], $0xffff;
	v33 =	vsub.f32 v37, v59;
	v21 =	vmul.f32 v21, v21;
	v3 =	vmul.f32 v3, v3  }
0x7c: {  	v30 =	vld.idx.msk [tilespmem:v0+s28+$0x6030 ss:$0x1], $0xffff;
	v20 =	vmul.f32 v20, v20;
	v23 =	vadd.f32 v28, v23;
	v24 =	vsub.f32 v40, v24  }
0x7d: {  	v63 =	vshra.s32 v25, $0x1;
	v28 =	vld.idx.msk [tilespmem:v0+s28+$0x60B0 ss:$0x1], $0xffff;
	v39 =	vadd.f32 v21, v19;
	v21 =	vsub.f32 v36, v29  }
0x7e: {  	v29 =	vadd.f32 v3, v20;
	v3 =	vmul.f32 v34, v34;
	v19 =	vmul.f32 v24, v24  }
0x7f: {  	v62 =	vld.idx.msk [tilespmem:v0+s28+$0x6050 ss:$0x1], $0xffff;
	v49 =	vshra.s32 v31, $0x1;
	v33 =	vmul.f32 v33, v33;
	v20 =	vsub.f32 v38, v58  }
0x80: {  	v32 =	vsub.s32 $0x5F3759DF, v63;
	v24 =	vld.idx.msk [tilespmem:v0+s28+$0x6040 ss:$0x1], $0xffff;
	v37 =	vadd.f32 v3, v19;
	v3 =	vsub.f32 v42, v60  }
0x81: {  	v41 =	vsub.s32 $0x5F3759DF, v49;
	v21 =	vmul.f32 v21, v21;
	v19 =	vmul.f32 v20, v20;
	v20 =	vld.idx.msk [tilespmem:v0+s28+$0x60D0 ss:$0x1], $0xffff  }
0x82: {  	v48 =	vld.idx.msk [tilespmem:v0+s28+$0x6060 ss:$0x1], $0xffff;
	v30 =	vsub.f32 v45, v30;
	v28 =	vsub.f32 v47, v28;
	v3 =	vmul.f32 v3, v3  }
0x83: {  	v61 =	vld.idx.msk [tilespmem:v0+s28+$0x60C0 ss:$0x1], $0xffff;
	v31 =	vmul.f32 v41, v31;
	v54 =	vshra.s32 v23, $0x1;
	v40 =	vadd.f32 v19, v21  }
0x84: {  	v19 =	vmul.f32 v30, v30;
	v30 =	vadd.f32 v3, v33;
	v3 =	vmul.f32 v28, v28  }
0x85: {  	v42 =	vsub.s32 $0x5F3759DF, v54;
	v21 =	vld.idx.msk [tilespmem:v0+s28+$0x60E0 ss:$0x1], $0xffff;
	s28 =	sadd.s32 $0x1, s25;
	v24 =	vsub.f32 v51, v24;
	v51 =	vsub.f32 v53, v62  }
0x86: {  	v53 =	vadd.f32 v3, v19;
	v3 =	vsub.f32 v52, v20;
	v20 =	vmov s28  }
0x87: {  	v38 =	vsub.f32 v55, v48;
	v55 =	vshra.s32 v39, $0x1;
	v23 =	vmul.f32 v42, v23  }
0x88: {  	v5 =	vadd.f32 v31, v5;
	v57 =	vshra.s32 v37, $0x1;
	v28 =	vsub.f32 v50, v61  }
0x89: {  	v56 =	vshra.s32 v29, $0x1;
	v43 =	vsub.s32 $0x5F3759DF, v57;
	v8 =	vadd.f32 v23, v8  }
0x8a: {  	v50 =	vshra.s32 v26, $0x1;
	v24 =	vmul.f32 v24, v24;
	v19 =	vmul.f32 v28, v28  }
0x8b: {  	v34 =	vmul.f32 v51, v51;
	v21 =	vsub.f32 v18, v21;
	v3 =	vmul.f32 v3, v3;
	v61 =	vld.idx.msk [tilespmem:v20+s14+$0x0], $0xffff  }
0x8c: {  	v58 =	vshra.s32 v40, $0x1;
	v33 =	vsub.s32 $0x5F3759DF, v50;
	v24 =	vadd.f32 v19, v24  }
0x8d: {  	v19 =	vmul.f32 v38, v38;
	v18 =	vadd.f32 v3, v34;
	v3 =	vmul.f32 v21, v21  }
0x8e: {  	v44 =	vsub.s32 $0x5F3759DF, v58;
	v28 =	vshra.s32 v27, $0x1;
	v26 =	vmul.f32 v33, v26  }
0x8f: {  	v31 =	vmul.f32 v44, v40;
	v20 =	vadd.f32 v3, v19;
	v3 =	vsub.s32 $0x5F3759DF, v35  }
0x90: {  	v59 =	vshra.s32 v30, $0x1;
	v3 =	vmul.f32 v3, v22;
	v63 =	vmul.f32 v61, v61  }
0x91: {  	v28 =	vsub.s32 $0x5F3759DF, v28;
	v45 =	vsub.s32 $0x5F3759DF, v59;
	v22 =	vmul.f32 v32, v25  }
0x92: {  	v3 =	vadd.f32 v3, v16;
	v25 =	vmul.f32 $-1.388888920e-03, v63;
	v16 =	vmul.f32 $8.333333770e-03, v63  }
0x93: {  	s29 =	simm.s32 $0x100;
	v60 =	vshra.s32 v53, $0x1;
	v38 =	vsub.s32 $0x5F3759DF, v55;
	v6 =	vadd.f32 v26, v6  }
0x94: {  	v49 =	vld.idx.msk [tilespmem:v0+s29+$0xA0 ss:$0x1], $0xffff;
	v27 =	vmul.f32 v28, v27;
	v25 =	vadd.f32 $4.166666790e-02, v25;
	v16 =	vadd.f32 $-1.666666720e-01, v16  }
0x95: {  	v42 =	vld.idx.msk [tilespmem:v0+s29+$0x4070 ss:$0x1], $0xffff;
	v26 =	vmul.f32 v45, v30;
	v12 =	vadd.f32 v31, v12;
	v46 =	vsub.s32 $0x5F3759DF, v60  }
0x96: {  	v57 =	vld.idx.msk [tilespmem:v0+s29+$0xC0 ss:$0x1], $0xffff;
	v4 =	vadd.f32 v22, v4;
	v22 =	vmul.f32 v25, v63;
	v16 =	vmul.f32 v16, v63  }
0x97: {  	v28 =	vmul.f32 v38, v39;
	v62 =	vshra.s32 v24, $0x1;
	v25 =	vmul.f32 v43, v37;
	v43 =	vld.idx.msk [tilespmem:v0+s29+$0x40F0 ss:$0x1], $0xffff  }
0x98: {  	v45 =	vld.idx.msk [tilespmem:v0+s29+$0x80 ss:$0x1], $0xffff;
	v34 =	vsub.s32 $0x5F3759DF, v56;
	v22 =	vadd.f32 $-5.000000000e-01, v22;
	v16 =	vadd.f32 $1.000000000e+00, v16  }
0x99: {  	v31 =	vld.idx.msk [tilespmem:v0+s29+$0x90 ss:$0x1], $0xffff;
	v44 =	vmul.f32 v46, v53;
	v7 =	vadd.f32 v27, v7;
	v21 =	vshra.s32 v18, $0x1  }
0x9a: {  	v60 =	vld.idx.msk [tilespmem:v0+s29+$0xD0 ss:$0x1], $0xffff;
	v21 =	vsub.s32 $0x5F3759DF, v21;
	v46 =	vmul.f32 v22, v63;
	v22 =	vmul.f32 v16, v61  }
0x9b: {  	v53 =	vld.idx.msk [tilespmem:v0+s29+$0xE0 ss:$0x1], $0xffff;
	v29 =	vmul.f32 v34, v29;
	v35 =	vsub.s32 $0x5F3759DF, v62;
	v18 =	vmul.f32 v21, v18  }
0x9c: {  	v30 =	vld.idx.msk [tilespmem:v0+s29+$0x0 ss:$0x1], $0xffff;
	v9 =	vadd.f32 v28, v9;
	v16 =	vmul.f32 v35, v24;
	v28 =	vmul.f32 v43, v22  }
0x9d: {  	v27 =	vld.idx.msk [tilespmem:v0+s29+$0x10 ss:$0x1], $0xffff;
	v10 =	vadd.f32 v29, v10;
	v29 =	vmul.f32 v42, v22;
	v55 =	vmul.f32 v22, v45  }
0x9e: {  	v23 =	vadd.f32 $1.000000000e+00, v46;
	v56 =	vmul.f32 v22, v31;
	v34 =	vmul.f32 v49, v22  }
0x9f: {  	v13 =	vadd.f32 v26, v13;
	v26 =	vld.idx.msk [tilespmem:v0+s29+$0x20 ss:$0x1], $0xffff;
	v35 =	vmul.f32 v57, v22;
	v39 =	vmul.f32 v60, v22  }
0xa0: {  	v51 =	vld.idx.msk [tilespmem:v0+s29+$0x30 ss:$0x1], $0xffff;
	v41 =	vmul.f32 v53, v22;
	v32 =	vmul.f32 v42, v23  }
0xa1: {  	v36 =	vld.idx.msk [tilespmem:v0+s29+$0x50 ss:$0x1], $0xffff;
	v33 =	vmul.f32 v43, v23;
	v48 =	vmul.f32 v23, v30  }
0xa2: {  	v62 =	vld.idx.msk [tilespmem:v0+s29+$0xF0 ss:$0x1], $0xffff;
	v37 =	vmul.f32 v23, v45;
	v50 =	vmul.f32 v23, v27  }
0xa3: {  	v14 =	vadd.f32 v44, v14;
	v30 =	vmul.f32 v22, v30;
	v27 =	vmul.f32 v22, v27  }
0xa4: {  	v11 =	vadd.f32 v25, v11;
	v25 =	vld.idx.msk [tilespmem:v0+s29+$0x60F0 ss:$0x1], $0xffff;
	v31 =	vmul.f32 v23, v31;
	v58 =	vmul.f32 v26, v23  }
0xa5: {  	v19 =	vshra.s32 v20, $0x1;
	v24 =	vld.idx.msk [tilespmem:v0+s29+$0x6070 ss:$0x1], $0xffff;
	v59 =	vmul.f32 v49, v23;
	v52 =	vmul.f32 v51, v23  }
0xa6: {  	v44 =	vld.idx.msk [tilespmem:v0+s29+$0x70 ss:$0x1], $0xffff;
	v15 =	vadd.f32 v16, v15;
	v26 =	vmul.f32 v26, v22;
	v61 =	vmul.f32 v57, v23  }
0xa7: {  	v21 =	vld.idx.msk [tilespmem:v0+s29+$0x20C0 ss:$0x1], $0xffff;
	v63 =	vmul.f32 v36, v23;
	v43 =	vmul.f32 v62, v23;
	v28 =	vsub.f32 v32, v28  }
0xa8: {  	v16 =	vld.idx.msk [tilespmem:v0+s29+$0xB0 ss:$0x1], $0xffff;
	v62 =	vmul.f32 v62, v22;
	v29 =	vadd.f32 v33, v29;
	v30 =	vadd.f32 v37, v30  }
0xa9: {  	[tilespmem:$0x1FFF0] =	vst v19;
	v33 =	vsub.f32 v50, v56;
	v27 =	vadd.f32 v31, v27;
	v32 =	vmul.f32 v51, v22  }
0xaa: {  	v57 =	vld.idx.msk [tilespmem:v0+s29+$0x4080 ss:$0x1], $0xffff;
	v56 =	vmul.f32 v60, v23;
	v24 =	vsub.f32 v28, v24;
	v25 =	vsub.f32 v29, v25  }
0xab: {  	v19 =	vld.idx.msk [tilespmem:v0+s29+$0x20A0 ss:$0x1], $0xffff;
	v26 =	vadd.f32 v59, v26;
	v59 =	vmul.f32 v53, v23;
	v60 =	vmul.f32 v36, v22  }
0xac: {  	v49 =	vld.idx.msk [tilespmem:v0+s29+$0x4090 ss:$0x1], $0xffff;
	v34 =	vsub.f32 v58, v34;
	v24 =	vmul.f32 v24, v24;
	v25 =	vmul.f32 v25, v25  }
0xad: {  	v50 =	vld.idx.msk [tilespmem:v0+s29+$0x4020 ss:$0x1], $0xffff;
	v37 =	vsub.f32 v63, v39;
	v31 =	vmul.f32 v16, v23;
	v54 =	vmul.f32 v16, v22  }
0xae: {  	v36 =	vmul.f32 v44, v23;
	v51 =	vld.idx.msk [tilespmem:v0+s29+$0x40A0 ss:$0x1], $0xffff;
	v29 =	vsub.f32 v48, v55;
	v24 =	vadd.f32 v25, v24  }
0xaf: {  	v40 =	vsub.f32 v52, v54;
	v31 =	vadd.f32 v31, v32;
	v63 =	vmul.f32 v57, v23;
	v25 =	vld.idx.msk [tilespmem:v0+s29+$0x60 ss:$0x1], $0xffff  }
0xb0: {  	v28 =	vld.idx.msk [tilespmem:v0+s29+$0x40 ss:$0x1], $0xffff;
	v32 =	vadd.f32 v56, v60;
	v60 =	vmul.f32 v44, v22;
	v16 =	vshra.s32 v24, $0x1  }
0xb1: {  	v52 =	vld.idx.msk [tilespmem:v0+s29+$0x4030 ss:$0x1], $0xffff;
	v47 =	vmul.f32 v57, v22;
	v48 =	vmul.f32 v49, v23;
	v16 =	vsub.s32 $0x5F3759DF, v16  }
0xb2: {  	v36 =	vsub.f32 v36, v62;
	v54 =	vld.idx.msk [tilespmem:v0+s29+$0x4040 ss:$0x1], $0xffff;
	v39 =	vmul.f32 v49, v22;
	v16 =	vmul.f32 v16, v24  }
0xb3: {  	v19 =	vsub.f32 v26, v19;
	v42 =	vmul.f32 v50, v23;
	v49 =	vmul.f32 v51, v23;
	v24 =	vld.idx.msk [tilespmem:v0+s29+$0x4000 ss:$0x1], $0xffff  }
0xb4: {  	v46 =	vmul.f32 v50, v22;
	v58 =	vmul.f32 v25, v23;
	v16 =	vadd.f32 v16, v17;
	v17 =	vld.idx.msk [tilespmem:v0+s29+$0x4010 ss:$0x1], $0xffff  }
0xb5: {  	v53 =	vld.idx.msk [tilespmem:v0+s29+$0x40B0 ss:$0x1], $0xffff;
	v38 =	vadd.f32 v43, v60;
	v55 =	vmul.f32 v28, v23;
	v28 =	vmul.f32 v28, v22  }
0xb6: {  	v46 =	vadd.f32 v49, v46;
	v43 =	vmul.f32 v52, v23;
	v41 =	vsub.f32 v58, v41;
	v58 =	vld.idx.msk [tilespmem:v0+s29+$0x4060 ss:$0x1], $0xffff  }
0xb7: {  	v50 =	vmul.f32 v54, v23;
	v35 =	vsub.f32 v55, v35;
	v55 =	vld.idx.msk [tilespmem:v0+s29+$0x40C0 ss:$0x1], $0xffff;
	v25 =	vmul.f32 v25, v22  }
0xb8: {  	v56 =	vld.idx.msk [tilespmem:v0+s29+$0x4050 ss:$0x1], $0xffff;
	v49 =	vmul.f32 v54, v22;
	v28 =	vadd.f32 v61, v28;
	v61 =	vmul.f32 v24, v23  }
0xb9: {  	v57 =	vld.idx.msk [tilespmem:v0+s29+$0x40D0 ss:$0x1], $0xffff;
	v25 =	vadd.f32 v59, v25;
	v24 =	vmul.f32 v24, v22;
	v44 =	vmul.f32 v17, v23  }
0xba: {  	v59 =	vld.idx.msk [tilespmem:v0+s29+$0x40E0 ss:$0x1], $0xffff;
	v17 =	vmul.f32 v17, v22;
	v45 =	vsub.f32 v61, v47;
	v47 =	vmul.f32 v51, v22  }
0xbb: {  	v62 =	vld.idx.msk [tilespmem:v0+s29+$0x2010 ss:$0x1], $0xffff;
	v51 =	vmul.f32 v53, v23;
	v24 =	vadd.f32 v63, v24;
	v54 =	vmul.f32 v58, v23  }
0xbc: {  	v26 =	vld.idx.msk [tilespmem:v0+s29+$0x2060 ss:$0x1], $0xffff;
	v39 =	vsub.f32 v44, v39;
	v44 =	vmul.f32 v53, v22;
	v53 =	vmul.f32 v55, v23  }
0xbd: {  	v60 =	vld.idx.msk [tilespmem:v0+s29+$0x2000 ss:$0x1], $0xffff;
	v48 =	vadd.f32 v48, v17;
	v17 =	vmul.f32 v52, v22;
	v52 =	vmul.f32 v56, v23  }
0xbe: {  	v61 =	vld.idx.msk [tilespmem:v0+s29+$0x2080 ss:$0x1], $0xffff;
	v42 =	vsub.f32 v42, v47;
	v47 =	vmul.f32 v55, v22;
	v55 =	vmul.f32 v57, v23  }
0xbf: {  	v63 =	vld.idx.msk [tilespmem:v0+s29+$0x2090 ss:$0x1], $0xffff;
	v51 =	vadd.f32 v51, v17;
	v17 =	vmul.f32 v59, v23;
	v23 =	vmul.f32 v56, v22  }
0xc0: {  	v43 =	vsub.f32 v43, v44;
	v44 =	vld.idx.msk [tilespmem:v0+s29+$0x2020 ss:$0x1], $0xffff  }
0xc1: {  	v55 =	vadd.f32 v55, v23;
	v23 =	vld [tilespmem:$0x1FFF0]  }
0xc2: {  	v26 =	vsub.f32 v41, v26;
	v57 =	vmul.f32 v57, v22;
	v47 =	vsub.f32 v50, v47;
	v50 =	vld.idx.msk [tilespmem:v0+s29+$0x2030 ss:$0x1], $0xffff  }
0xc3: {  	v56 =	vmul.f32 v59, v22;
	v49 =	vadd.f32 v53, v49;
	v22 =	vmul.f32 v58, v22;
	v53 =	vld.idx.msk [tilespmem:v0+s29+$0x20B0 ss:$0x1], $0xffff  }
0xc4: {  	v52 =	vsub.f32 v52, v57;
	v57 =	vld.idx.msk [tilespmem:v0+s29+$0x2040 ss:$0x1], $0xffff;
	v27 =	vsub.f32 v27, v63  }
0xc5: {  	v26 =	vmul.f32 v26, v26;
	v58 =	vld.idx.msk [tilespmem:v0+s29+$0x6000 ss:$0x1], $0xffff;
	v54 =	vsub.f32 v54, v56;
	v56 =	vadd.f32 v17, v22  }
0xc6: {  	v22 =	vsub.f32 v29, v60;
	v29 =	vsub.f32 v30, v61;
	v30 =	vld.idx.msk [tilespmem:v0+s29+$0x20D0 ss:$0x1], $0xffff;
	v23 =	vsub.s32 $0x5F3759DF, v23  }
0xc7: {  	v27 =	vmul.f32 v27, v27;
	v17 =	vmul.f32 v23, v20;
	v20 =	vld.idx.msk [tilespmem:v0+s29+$0x2050 ss:$0x1], $0xffff  }
0xc8: {  	v63 =	vld.idx.msk [tilespmem:v0+s29+$0x20E0 ss:$0x1], $0xffff;
	v22 =	vmul.f32 v22, v22;
	v29 =	vmul.f32 v29, v29;
	v31 =	vsub.f32 v31, v53  }
0xc9: {  	v60 =	vld.idx.msk [tilespmem:v0+s29+$0x6080 ss:$0x1], $0xffff;
	v61 =	vsub.f32 v34, v44;
	v35 =	vsub.f32 v35, v57;
	v57 =	vmul.f32 v19, v19  }
0xca: {  	v53 =	vld.idx.msk [tilespmem:v0+s29+$0x2070 ss:$0x1], $0xffff;
	v19 =	vsub.f32 v28, v21;
	v34 =	vsub.f32 v45, v58;
	v31 =	vmul.f32 v31, v31  }
0xcb: {  	v28 =	vld.idx.msk [tilespmem:v0+s29+$0x20F0 ss:$0x1], $0xffff;
	v35 =	vmul.f32 v35, v35;
	v30 =	vsub.f32 v32, v30;
	v23 =	vsub.f32 v33, v62  }
0xcc: {  	v45 =	vld.idx.msk [tilespmem:v0+s29+$0x6030 ss:$0x1], $0xffff;
	v59 =	vmul.f32 v19, v19;
	v62 =	vsub.f32 v40, v50;
	v20 =	vsub.f32 v37, v20  }
0xcd: {  	v19 =	vadd.f32 v29, v22;
	v33 =	vmul.f32 v61, v61;
	v61 =	vld.idx.msk [tilespmem:v0+s29+$0x6010 ss:$0x1], $0xffff;
	v23 =	vmul.f32 v23, v23  }
0xce: {  	v24 =	vsub.f32 v24, v60;
	v21 =	vmul.f32 v62, v62;
	v62 =	vld.idx.msk [tilespmem:v0+s29+$0x6020 ss:$0x1], $0xffff;
	v29 =	vmul.f32 v20, v20  }
0xcf: {  	v20 =	vadd.f32 v27, v23;
	v27 =	vmul.f32 v30, v30;
	v23 =	vsub.f32 v25, v63;
	v30 =	vld.idx.msk [tilespmem:v0+s29+$0x6090 ss:$0x1], $0xffff  }
0xd0: {  	v24 =	vmul.f32 v24, v24;
	v22 =	vadd.f32 v57, v33;
	v25 =	vsub.f32 v36, v53  }
0xd1: {  	v28 =	vsub.f32 v38, v28;
	v21 =	vadd.f32 v31, v21;
	v63 =	vld.idx.msk [tilespmem:v0+s29+$0x60A0 ss:$0x1], $0xffff;
	v31 =	vmul.f32 v23, v23  }
0xd2: {  	v37 =	vsub.f32 v43, v45;
	v44 =	vmul.f32 v25, v25;
	v25 =	vadd.f32 v27, v29  }
0xd3: {  	v50 =	vld.idx.msk [tilespmem:v0+s29+$0x60B0 ss:$0x1], $0xffff;
	v28 =	vmul.f32 v28, v28;
	v27 =	vadd.f32 v31, v26;
	v31 =	vsub.f32 v39, v61  }
0xd4: {  	v57 =	vld.idx.msk [tilespmem:v0+s29+$0x60C0 ss:$0x1], $0xffff;
	v33 =	vsub.f32 v42, v62;
	v26 =	vmul.f32 v34, v34;
	v30 =	vsub.f32 v48, v30  }
0xd5: {  	v53 =	vld.idx.msk [tilespmem:v0+s29+$0x6040 ss:$0x1], $0xffff;
	v36 =	vshra.s32 v22, $0x1;
	v23 =	vadd.f32 v59, v35;
	v58 =	vmul.f32 v31, v31  }
0xd6: {  	v59 =	vld.idx.msk [tilespmem:v0+s29+$0x6050 ss:$0x1], $0xffff;
	v31 =	vadd.f32 v24, v26;
	v26 =	vsub.f32 v46, v63;
	v24 =	vmul.f32 v30, v30  }
0xd7: {  	v62 =	vmul.f32 v37, v37;
	v37 =	vshra.s32 v21, $0x1;
	v29 =	vshra.s32 v19, $0x1;
	v30 =	vld.idx.msk [tilespmem:v0+s29+$0x60D0 ss:$0x1], $0xffff  }
0xd8: {  	v60 =	vld.idx.msk [tilespmem:v0+s29+$0x6060 ss:$0x1], $0xffff;
	v32 =	vadd.f32 v24, v58;
	v24 =	vmul.f32 v26, v26;
	v26 =	vsub.f32 v51, v50  }
0xd9: {  	v35 =	vshra.s32 v20, $0x1;
	v33 =	vmul.f32 v33, v33;
	v28 =	vadd.f32 v28, v44;
	v61 =	vld.idx.msk [tilespmem:v0+s29+$0x60E0 ss:$0x1], $0xffff  }
0xda: {  	v39 =	vsub.f32 v49, v57;
	v34 =	vsub.f32 v47, v53;
	v26 =	vmul.f32 v26, v26  }
0xdb: {  	v38 =	vshra.s32 v23, $0x1;
	v40 =	vsub.f32 v52, v59;
	v33 =	vadd.f32 v24, v33  }
0xdc: {  	v24 =	vmul.f32 v34, v34;
	v63 =	vsub.f32 v55, v30;
	v34 =	vadd.f32 v26, v62  }
0xdd: {  	s29 =	sadd.s32 $0x1, s28;
	v26 =	vmul.f32 v39, v39;
	v39 =	vmul.f32 v40, v40;
	v40 =	vsub.f32 v54, v60  }
0xde: {  	s30 =	simm.s32 $0xC00;
	s28 =	simm.s32 $0x800;
	v42 =	vsub.f32 v56, v61;
	v30 =	vmov s29;
	v41 =	vmul.f32 v63, v63  }
.LBB2_3:
0xdf: {  	p1 =	sne.s32 s30, $0x7C00;
	v43 =	vshra.s32 v25, $0x1;
	v24 =	vadd.f32 v26, v24;
	v26 =	vmul.f32 v40, v40  }
0xe0: {  	v40 =	vshra.s32 v27, $0x1;
	v39 =	vadd.f32 v41, v39;
	v41 =	vmul.f32 v42, v42  }
0xe1: {  	v44 =	vshra.s32 v31, $0x1;
	v45 =	vshra.s32 v32, $0x1;
	v42 =	vshra.s32 v28, $0x1  }
0xe2: {  	v46 =	vshra.s32 v33, $0x1;
	v47 =	vshra.s32 v34, $0x1;
	v26 =	vadd.f32 v41, v26  }
0xe3: {  	v29 =	vsub.s32 $0x5F3759DF, v29;
	v41 =	vshra.s32 v24, $0x1;
	v48 =	vshra.s32 v39, $0x1;
	v30 =	vld.idx.msk [tilespmem:v30+s14+$0x0], $0xffff  }
0xe4: {  	v35 =	vsub.s32 $0x5F3759DF, v35;
	v36 =	vsub.s32 $0x5F3759DF, v36;
	v49 =	vshra.s32 v26, $0x1  }
0xe5: {  	v37 =	vsub.s32 $0x5F3759DF, v37;
	v38 =	vsub.s32 $0x5F3759DF, v38;
	v43 =	vsub.s32 $0x5F3759DF, v43  }
0xe6: {  	v40 =	vsub.s32 $0x5F3759DF, v40;
	v44 =	vsub.s32 $0x5F3759DF, v44;
	v42 =	vsub.s32 $0x5F3759DF, v42  }
0xe7: {  	v45 =	vsub.s32 $0x5F3759DF, v45;
	v46 =	vsub.s32 $0x5F3759DF, v46;
	v47 =	vsub.s32 $0x5F3759DF, v47  }
0xe8: {  	v41 =	vsub.s32 $0x5F3759DF, v41;
	v48 =	vsub.s32 $0x5F3759DF, v48;
	v49 =	vsub.s32 $0x5F3759DF, v49  }
0xe9: {  	v2 =	vadd.f32 v18, v2;
	v19 =	vmul.f32 v29, v19;
	v50 =	vmul.f32 v30, v30  }
0xea: {  	v1 =	vadd.f32 v17, v1;
	v18 =	vmul.f32 v35, v20;
	v20 =	vmul.f32 v36, v22  }
0xeb: {  	v3 =	vadd.f32 v19, v3;
	v19 =	vmul.f32 v37, v21;
	v17 =	vmul.f32 $-1.388888920e-03, v50  }
0xec: {  	v22 =	vmul.f32 v38, v23;
	v4 =	vadd.f32 v18, v4;
	v21 =	vmul.f32 $8.333333770e-03, v50  }
0xed: {  	v23 =	vmul.f32 v43, v25;
	v25 =	vmul.f32 v40, v27;
	v17 =	vadd.f32 $4.166666790e-02, v17  }
0xee: {  	s31 =	sshra.s32 s28, $0x2;
	s28 =	smov.u32 s30;
	v27 =	vmul.f32 v44, v31;
	v18 =	vadd.f32 $-1.666666720e-01, v21;
	v21 =	vmul.f32 v42, v28  }
0xef: {  	v29 =	vmul.f32 v45, v32;
	v5 =	vadd.f32 v20, v5;
	v17 =	vmul.f32 v17, v50;
	v28 =	vld.idx.msk [tilespmem:v0+s31+$0x4070 ss:$0x1], $0xffff  }
0xf0: {  	v32 =	vmul.f32 v46, v33;
	v6 =	vadd.f32 v19, v6;
	v18 =	vmul.f32 v18, v50;
	v31 =	vld.idx.msk [tilespmem:v0+s31+$0x40F0 ss:$0x1], $0xffff  }
0xf1: {  	v34 =	vmul.f32 v47, v34;
	v24 =	vmul.f32 v41, v24;
	v19 =	vadd.f32 $-5.000000000e-01, v17;
	v33 =	vld.idx.msk [tilespmem:v0+s31+$0x0 ss:$0x1], $0xffff  }
0xf2: {  	v20 =	vadd.f32 $1.000000000e+00, v18;
	v18 =	vmul.f32 v48, v39;
	v17 =	vmul.f32 v49, v26;
	v35 =	vld.idx.msk [tilespmem:v0+s31+$0x80 ss:$0x1], $0xffff  }
0xf3: {  	v7 =	vadd.f32 v22, v7;
	v8 =	vadd.f32 v23, v8;
	v26 =	vmul.f32 v19, v50;
	v36 =	vld.idx.msk [tilespmem:v0+s31+$0x10 ss:$0x1], $0xffff  }
0xf4: {  	v9 =	vadd.f32 v25, v9;
	v10 =	vadd.f32 v21, v10;
	v19 =	vmul.f32 v20, v30;
	v22 =	vld.idx.msk [tilespmem:v0+s31+$0x6070 ss:$0x1], $0xffff  }
0xf5: {  	v11 =	vadd.f32 v27, v11;
	v20 =	vadd.f32 $1.000000000e+00, v26;
	v21 =	vld.idx.msk [tilespmem:v0+s31+$0x60F0 ss:$0x1], $0xffff  }
0xf6: {  	v12 =	vadd.f32 v29, v12;
	v26 =	vmul.f32 v28, v19;
	v25 =	vmul.f32 v31, v19;
	v23 =	vld.idx.msk [tilespmem:v0+s31+$0x90 ss:$0x1], $0xffff  }
0xf7: {  	v13 =	vadd.f32 v32, v13;
	v28 =	vmul.f32 v28, v20;
	v29 =	vmul.f32 v31, v20;
	v27 =	vld.idx.msk [tilespmem:v0+s31+$0x20 ss:$0x1], $0xffff  }
0xf8: {  	v14 =	vadd.f32 v34, v14;
	v30 =	vmul.f32 v20, v33;
	v31 =	vmul.f32 v20, v35;
	v32 =	vld.idx.msk [tilespmem:v0+s31+$0xA0 ss:$0x1], $0xffff  }
0xf9: {  	v34 =	vmul.f32 v20, v36;
	v25 =	vsub.f32 v28, v25;
	v26 =	vadd.f32 v29, v26;
	v37 =	vld.idx.msk [tilespmem:v0+s31+$0x30 ss:$0x1], $0xffff  }
0xfa: {  	v15 =	vadd.f32 v24, v15;
	v28 =	vmul.f32 v19, v35;
	v29 =	vmul.f32 v19, v33;
	v33 =	vld.idx.msk [tilespmem:v0+s31+$0xB0 ss:$0x1], $0xffff  }
0xfb: {  	v24 =	vmul.f32 v19, v36;
	v25 =	vsub.f32 v25, v22;
	v26 =	vsub.f32 v26, v21;
	v35 =	vld.idx.msk [tilespmem:v0+s31+$0x40 ss:$0x1], $0xffff  }
0xfc: {  	v21 =	vsub.f32 v30, v28;
	v28 =	vmul.f32 v19, v23;
	v30 =	vmul.f32 v20, v23;
	v36 =	vld.idx.msk [tilespmem:v0+s31+$0xC0 ss:$0x1], $0xffff  }
0xfd: {  	v22 =	vadd.f32 v31, v29;
	v25 =	vmul.f32 v25, v25;
	v26 =	vmul.f32 v26, v26;
	v29 =	vld.idx.msk [tilespmem:v0+s31+$0x50 ss:$0x1], $0xffff  }
0xfe: {  	v23 =	vsub.f32 v34, v28;
	v28 =	vmul.f32 v27, v20;
	v31 =	vmul.f32 v32, v20;
	v34 =	vld.idx.msk [tilespmem:v0+s31+$0xD0 ss:$0x1], $0xffff  }
0xff: {  	v32 =	vmul.f32 v32, v19;
	v38 =	vmul.f32 v37, v20;
	v25 =	vadd.f32 v26, v25;
	v39 =	vld.idx.msk [tilespmem:v0+s31+$0x60 ss:$0x1], $0xffff  }
0x100: {  	v24 =	vadd.f32 v30, v24;
	v26 =	vmul.f32 v27, v19;
	v27 =	vmul.f32 v33, v20;
	v30 =	vld.idx.msk [tilespmem:v0+s31+$0xE0 ss:$0x1], $0xffff  }
0x101: {  	v33 =	vmul.f32 v33, v19;
	v40 =	vmul.f32 v35, v20;
	v42 =	vshra.s32 v25, $0x1;
	v41 =	vld.idx.msk [tilespmem:v0+s31+$0x70 ss:$0x1], $0xffff  }
0x102: {  	v37 =	vmul.f32 v37, v19;
	v43 =	vmul.f32 v36, v20;
	v42 =	vsub.s32 $0x5F3759DF, v42;
	v44 =	vld.idx.msk [tilespmem:v0+s31+$0xF0 ss:$0x1], $0xffff  }
0x103: {  	v28 =	vsub.f32 v28, v32;
	v32 =	vmul.f32 v29, v20;
	v25 =	vmul.f32 v42, v25;
	v45 =	vld.idx.msk [tilespmem:v0+s31+$0x4000 ss:$0x1], $0xffff  }
0x104: {  	v26 =	vadd.f32 v31, v26;
	v31 =	vmul.f32 v36, v19;
	v36 =	vmul.f32 v34, v20;
	v42 =	vld.idx.msk [tilespmem:v0+s31+$0x4080 ss:$0x1], $0xffff  }
0x105: {  	v35 =	vmul.f32 v35, v19;
	v46 =	vmul.f32 v39, v20;
	v16 =	vadd.f32 v25, v16;
	v47 =	vld.idx.msk [tilespmem:v0+s31+$0x4010 ss:$0x1], $0xffff  }
0x106: {  	v25 =	vsub.f32 v38, v33;
	v33 =	vmul.f32 v34, v19;
	v34 =	vmul.f32 v30, v20;
	v38 =	vld.idx.msk [tilespmem:v0+s31+$0x4090 ss:$0x1], $0xffff  }
0x107: {  	v27 =	vadd.f32 v27, v37;
	v29 =	vmul.f32 v29, v19;
	v37 =	vmul.f32 v41, v20;
	v48 =	vld.idx.msk [tilespmem:v0+s31+$0x4020 ss:$0x1], $0xffff  }
0x108: {  	v31 =	vsub.f32 v40, v31;
	v30 =	vmul.f32 v30, v19;
	v40 =	vmul.f32 v44, v20;
	v49 =	vld.idx.msk [tilespmem:v0+s31+$0x40A0 ss:$0x1], $0xffff  }
0x109: {  	v35 =	vadd.f32 v43, v35;
	v39 =	vmul.f32 v39, v19;
	v43 =	vmul.f32 v45, v20;
	v50 =	vld.idx.msk [tilespmem:v0+s31+$0x4030 ss:$0x1], $0xffff  }
0x10a: {  	v32 =	vsub.f32 v32, v33;
	v33 =	vmul.f32 v44, v19;
	v44 =	vmul.f32 v42, v20;
	v51 =	vld.idx.msk [tilespmem:v0+s31+$0x40B0 ss:$0x1], $0xffff  }
0x10b: {  	v29 =	vadd.f32 v36, v29;
	v36 =	vmul.f32 v41, v19;
	v41 =	vmul.f32 v47, v20;
	v52 =	vld.idx.msk [tilespmem:v0+s31+$0x4040 ss:$0x1], $0xffff  }
0x10c: {  	v30 =	vsub.f32 v46, v30;
	v42 =	vmul.f32 v42, v19;
	v46 =	vmul.f32 v38, v20;
	v53 =	vld.idx.msk [tilespmem:v0+s31+$0x40C0 ss:$0x1], $0xffff  }
0x10d: {  	v34 =	vadd.f32 v34, v39;
	v39 =	vmul.f32 v45, v19;
	v45 =	vmul.f32 v48, v20;
	v54 =	vld.idx.msk [tilespmem:v0+s31+$0x4050 ss:$0x1], $0xffff  }
0x10e: {  	v33 =	vsub.f32 v37, v33;
	v37 =	vmul.f32 v38, v19;
	v38 =	vmul.f32 v49, v20;
	v55 =	vld.idx.msk [tilespmem:v0+s31+$0x40D0 ss:$0x1], $0xffff  }
0x10f: {  	v36 =	vadd.f32 v40, v36;
	v40 =	vmul.f32 v47, v19;
	v47 =	vmul.f32 v50, v20;
	v56 =	vld.idx.msk [tilespmem:v0+s31+$0x4060 ss:$0x1], $0xffff  }
0x110: {  	v42 =	vsub.f32 v43, v42;
	v43 =	vmul.f32 v49, v19;
	v49 =	vmul.f32 v51, v20;
	v57 =	vld.idx.msk [tilespmem:v0+s31+$0x40E0 ss:$0x1], $0xffff  }
0x111: {  	v39 =	vadd.f32 v44, v39;
	v44 =	vmul.f32 v48, v19;
	v48 =	vmul.f32 v52, v20;
	v58 =	vld.idx.msk [tilespmem:v0+s31+$0x2000 ss:$0x1], $0xffff  }
0x112: {  	v37 =	vsub.f32 v41, v37;
	v41 =	vmul.f32 v51, v19;
	v51 =	vmul.f32 v53, v20;
	v59 =	vld.idx.msk [tilespmem:v0+s31+$0x2080 ss:$0x1], $0xffff  }
0x113: {  	v40 =	vadd.f32 v46, v40;
	v46 =	vmul.f32 v50, v19;
	v50 =	vmul.f32 v54, v20;
	v60 =	vld.idx.msk [tilespmem:v0+s31+$0x2010 ss:$0x1], $0xffff  }
0x114: {  	v43 =	vsub.f32 v45, v43;
	v45 =	vmul.f32 v53, v19;
	v53 =	vmul.f32 v55, v20;
	v61 =	vld.idx.msk [tilespmem:v0+s31+$0x2090 ss:$0x1], $0xffff  }
0x115: {  	v38 =	vadd.f32 v38, v44;
	v44 =	vmul.f32 v52, v19;
	v52 =	vmul.f32 v56, v20;
	v62 =	vld.idx.msk [tilespmem:v0+s31+$0x2020 ss:$0x1], $0xffff  }
0x116: {  	v41 =	vsub.f32 v47, v41;
	v47 =	vmul.f32 v55, v19;
	v20 =	vmul.f32 v57, v20;
	v63 =	vld.idx.msk [tilespmem:v0+s31+$0x20A0 ss:$0x1], $0xffff  }
0x117: {  	v46 =	vadd.f32 v49, v46;
	v49 =	vmul.f32 v54, v19;
	v54 =	vmul.f32 v57, v19;
	v55 =	vld.idx.msk [tilespmem:v0+s31+$0x2030 ss:$0x1], $0xffff  }
0x118: {  	v45 =	vsub.f32 v48, v45;
	v44 =	vadd.f32 v51, v44;
	v19 =	vmul.f32 v56, v19;
	v57 =	vld.idx.msk [tilespmem:v0+s31+$0x20B0 ss:$0x1], $0xffff  }
0x119: {  	v47 =	vsub.f32 v50, v47;
	v49 =	vadd.f32 v53, v49;
	v48 =	vld.idx.msk [tilespmem:v0+s31+$0x2040 ss:$0x1], $0xffff  }
0x11a: {  	v51 =	vsub.f32 v52, v54;
	v52 =	vadd.f32 v20, v19;
	v50 =	vld.idx.msk [tilespmem:v0+s31+$0x20C0 ss:$0x1], $0xffff  }
0x11b: {  	v19 =	vsub.f32 v21, v58;
	v20 =	vsub.f32 v22, v59;
	v21 =	vld.idx.msk [tilespmem:v0+s31+$0x2050 ss:$0x1], $0xffff  }
0x11c: {  	v22 =	vsub.f32 v23, v60;
	v23 =	vsub.f32 v24, v61;
	v24 =	vld.idx.msk [tilespmem:v0+s31+$0x20D0 ss:$0x1], $0xffff  }
0x11d: {  	v19 =	vmul.f32 v19, v19;
	v28 =	vsub.f32 v28, v62;
	v26 =	vsub.f32 v26, v63;
	v53 =	vld.idx.msk [tilespmem:v0+s31+$0x2060 ss:$0x1], $0xffff  }
0x11e: {  	v20 =	vmul.f32 v20, v20;
	v25 =	vsub.f32 v25, v55;
	v27 =	vsub.f32 v27, v57;
	v54 =	vld.idx.msk [tilespmem:v0+s31+$0x20E0 ss:$0x1], $0xffff  }
0x11f: {  	v22 =	vmul.f32 v22, v22;
	v23 =	vmul.f32 v23, v23;
	v31 =	vsub.f32 v31, v48;
	v48 =	vld.idx.msk [tilespmem:v0+s31+$0x2070 ss:$0x1], $0xffff  }
0x120: {  	v28 =	vmul.f32 v28, v28;
	v26 =	vmul.f32 v26, v26;
	v35 =	vsub.f32 v35, v50;
	v50 =	vld.idx.msk [tilespmem:v0+s31+$0x20F0 ss:$0x1], $0xffff  }
0x121: {  	v25 =	vmul.f32 v25, v25;
	v27 =	vmul.f32 v27, v27;
	v21 =	vsub.f32 v32, v21;
	v32 =	vld.idx.msk [tilespmem:v0+s31+$0x6000 ss:$0x1], $0xffff  }
0x122: {  	v31 =	vmul.f32 v31, v31;
	v35 =	vmul.f32 v35, v35;
	v24 =	vsub.f32 v29, v24;
	v29 =	vld.idx.msk [tilespmem:v0+s31+$0x6080 ss:$0x1], $0xffff  }
0x123: {  	v19 =	vadd.f32 v20, v19;
	v55 =	vmul.f32 v21, v21;
	v21 =	vsub.f32 v30, v53;
	v30 =	vld.idx.msk [tilespmem:v0+s31+$0x6010 ss:$0x1], $0xffff  }
0x124: {  	v20 =	vadd.f32 v23, v22;
	v24 =	vmul.f32 v24, v24;
	v23 =	vsub.f32 v34, v54;
	v34 =	vld.idx.msk [tilespmem:v0+s31+$0x6090 ss:$0x1], $0xffff  }
0x125: {  	v22 =	vadd.f32 v26, v28;
	v26 =	vmul.f32 v21, v21;
	v28 =	vsub.f32 v33, v48;
	v33 =	vld.idx.msk [tilespmem:v0+s31+$0x6020 ss:$0x1], $0xffff  }
0x126: {  	v21 =	vadd.f32 v27, v25;
	v27 =	vmul.f32 v23, v23;
	v36 =	vsub.f32 v36, v50;
	v48 =	vld.idx.msk [tilespmem:v0+s31+$0x60A0 ss:$0x1], $0xffff  }
0x127: {  	v23 =	vadd.f32 v35, v31;
	v28 =	vmul.f32 v28, v28;
	v31 =	vsub.f32 v42, v32;
	v32 =	vld.idx.msk [tilespmem:v0+s31+$0x6030 ss:$0x1], $0xffff  }
0x128: {  	v25 =	vadd.f32 v24, v55;
	v24 =	vmul.f32 v36, v36;
	v29 =	vsub.f32 v39, v29;
	v36 =	vld.idx.msk [tilespmem:v0+s31+$0x60B0 ss:$0x1], $0xffff  }
0x129: {  	v27 =	vadd.f32 v27, v26;
	v26 =	vmul.f32 v31, v31;
	v30 =	vsub.f32 v37, v30;
	v37 =	vld.idx.msk [tilespmem:v0+s31+$0x6040 ss:$0x1], $0xffff  }
0x12a: {  	v28 =	vadd.f32 v24, v28;
	v24 =	vmul.f32 v29, v29;
	v34 =	vsub.f32 v40, v34;
	v39 =	vld.idx.msk [tilespmem:v0+s31+$0x60C0 ss:$0x1], $0xffff  }
0x12b: {  	v29 =	vshra.s32 v19, $0x1;
	v30 =	vmul.f32 v30, v30;
	v33 =	vsub.f32 v43, v33;
	v40 =	vld.idx.msk [tilespmem:v0+s31+$0x6050 ss:$0x1], $0xffff  }
0x12c: {  	v31 =	vadd.f32 v24, v26;
	v24 =	vmul.f32 v34, v34;
	v26 =	vsub.f32 v38, v48;
	v38 =	vld.idx.msk [tilespmem:v0+s31+$0x60D0 ss:$0x1], $0xffff  }
0x12d: {  	v35 =	vshra.s32 v20, $0x1;
	v33 =	vmul.f32 v33, v33;
	v34 =	vsub.f32 v41, v32;
	v41 =	vld.idx.msk [tilespmem:v0+s31+$0x6060 ss:$0x1], $0xffff  }
0x12e: {  	v32 =	vadd.f32 v24, v30;
	v24 =	vmul.f32 v26, v26;
	v26 =	vsub.f32 v46, v36;
	v42 =	vld.idx.msk [tilespmem:v0+s31+$0x60E0 ss:$0x1], $0xffff  }
0x12f: {  	v36 =	vshra.s32 v22, $0x1;
	v30 =	vmul.f32 v34, v34;
	v34 =	vsub.f32 v45, v37  }
.Ltmp0:
0x130: {  	v33 =	vadd.f32 v24, v33;
	v26 =	vmul.f32 v26, v26;
	v39 =	vsub.f32 v44, v39;
	(pc) =	sbr.rel @p1 .LBB2_3-.Ltmp0, $4  }
0x131: {  	v37 =	vshra.s32 v21, $0x1;
	v24 =	vmul.f32 v34, v34;
	v40 =	vsub.f32 v47, v40  }
0x132: {  	v34 =	vadd.f32 v26, v30;
	v26 =	vmul.f32 v39, v39;
	v43 =	vsub.f32 v49, v38  }
0x133: {  	s29 =	sadd.s32 $0x1, s29;
	v38 =	vshra.s32 v23, $0x1;
	v39 =	vmul.f32 v40, v40;
	v40 =	vsub.f32 v51, v41  }
0x134: {  	s30 =	sadd.s32 $0x400, s30;
	v30 =	vmov s29;
	v41 =	vmul.f32 v43, v43;
	v42 =	vsub.f32 v52, v42  }
0x135: {  	v43 =	vshra.s32 v25, $0x1;
	v44 =	vadd.f32 v26, v24;
	v59 =	vmul.f32 v40, v40  }
0x136: {  	v60 =	vshra.s32 v27, $0x1;
	v62 =	vshra.s32 v28, $0x1;
	v63 =	vshra.s32 v31, $0x1  }
0x137: {  	v45 =	vshra.s32 v32, $0x1;
	v46 =	vshra.s32 v33, $0x1;
	v47 =	vshra.s32 v34, $0x1  }
0x138: {  	v48 =	vsub.s32 $0x5F3759DF, v29;
	v35 =	vsub.s32 $0x5F3759DF, v35;
	v36 =	vsub.s32 $0x5F3759DF, v36  }
0x139: {  	v37 =	vsub.s32 $0x5F3759DF, v37;
	v38 =	vsub.s32 $0x5F3759DF, v38;
	v24 =	vadd.f32 v41, v39;
	v39 =	vld.idx.msk [tilespmem:v30+s14+$0x0], $0xffff  }
0x13a: {  	v2 =	vadd.f32 v18, v2;
	v17 =	vadd.f32 v17, v1;
	v61 =	vmul.f32 v42, v42  }
0x13b: {  	v43 =	vsub.s32 $0x5F3759DF, v43;
	v40 =	vsub.s32 $0x5F3759DF, v60;
	v41 =	vsub.s32 $0x5F3759DF, v62  }
0x13c: {  	v42 =	vsub.s32 $0x5F3759DF, v63;
	v45 =	vsub.s32 $0x5F3759DF, v45;
	v19 =	vmul.f32 v48, v19  }
0x13d: {  	v46 =	vsub.s32 $0x5F3759DF, v46;
	v20 =	vmul.f32 v35, v20;
	v18 =	vmul.f32 v36, v22  }
0x13e: {  	v47 =	vsub.s32 $0x5F3759DF, v47;
	v53 =	vmul.f32 v38, v23;
	v50 =	vmul.f32 v39, v39  }
0x13f: {  	v49 =	vshra.s32 v44, $0x1;
	v54 =	vmul.f32 v43, v25;
	v55 =	vmul.f32 v40, v27  }
0x140: {  	s28 =	sshra.s32 s28, $0x2;
	v1 =	vadd.f32 v19, v3;
	v52 =	vmul.f32 $-1.388888920e-03, v50;
	v3 =	vmul.f32 $8.333333770e-03, v50  }
0x141: {  	v58 =	vld.idx.msk [tilespmem:v0+s28+$0x4070 ss:$0x1], $0xffff;
	v56 =	vmul.f32 v41, v28;
	v57 =	vmul.f32 v42, v31;
	v26 =	vadd.f32 v61, v59  }
0x142: {  	v60 =	vld.idx.msk [tilespmem:v0+s28+$0x40F0 ss:$0x1], $0xffff;
	v63 =	vmul.f32 v47, v34;
	v22 =	vadd.f32 $4.166666790e-02, v52;
	v3 =	vadd.f32 $-1.666666720e-01, v3  }
0x143: {  	v62 =	vld.idx.msk [tilespmem:v0+s28+$0x0 ss:$0x1], $0xffff;
	v30 =	vshra.s32 v24, $0x1;
	v49 =	vsub.s32 $0x5F3759DF, v49;
	v19 =	vmul.f32 v37, v21  }
0x144: {  	v40 =	vld.idx.msk [tilespmem:v0+s28+$0x80 ss:$0x1], $0xffff;
	v4 =	vadd.f32 v20, v4;
	v22 =	vmul.f32 v22, v50;
	v3 =	vmul.f32 v3, v50  }
0x145: {  	v41 =	vld.idx.msk [tilespmem:v0+s28+$0x10 ss:$0x1], $0xffff;
	v5 =	vadd.f32 v18, v5;
	v59 =	vmul.f32 v45, v32;
	v7 =	vadd.f32 v53, v7  }
0x146: {  	v47 =	vld.idx.msk [tilespmem:v0+s28+$0x20 ss:$0x1], $0xffff;
	v61 =	vmul.f32 v46, v33;
	v18 =	vadd.f32 $-5.000000000e-01, v22;
	v3 =	vadd.f32 $1.000000000e+00, v3  }
0x147: {  	v46 =	vld.idx.msk [tilespmem:v0+s28+$0x90 ss:$0x1], $0xffff;
	v8 =	vadd.f32 v54, v8;
	v29 =	vshra.s32 v26, $0x1;
	v6 =	vadd.f32 v19, v6  }
0x148: {  	v54 =	vld.idx.msk [tilespmem:v0+s28+$0xA0 ss:$0x1], $0xffff;
	v29 =	vsub.s32 $0x5F3759DF, v29;
	v19 =	vmul.f32 v18, v50;
	v18 =	vmul.f32 v3, v39  }
0x149: {  	v9 =	vadd.f32 v55, v9;
	v26 =	vmul.f32 v29, v26;
	v3 =	vmul.f32 v49, v44  }
0x14a: {  	v36 =	vld.idx.msk [tilespmem:v0+s28+$0x50 ss:$0x1], $0xffff;
	v10 =	vadd.f32 v56, v10;
	v44 =	vmul.f32 v60, v18;
	v45 =	vmul.f32 v58, v18  }
0x14b: {  	v42 =	vld.idx.msk [tilespmem:v0+s28+$0x6070 ss:$0x1], $0xffff;
	v11 =	vadd.f32 v57, v11;
	v57 =	vmul.f32 v18, v40;
	v33 =	vmul.f32 v18, v62  }
0x14c: {  	v43 =	vld.idx.msk [tilespmem:v0+s28+$0x60F0 ss:$0x1], $0xffff;
	v19 =	vadd.f32 $1.000000000e+00, v19;
	v21 =	vmul.f32 v18, v41;
	v48 =	vmul.f32 v18, v46  }
0x14d: {  	v14 =	vadd.f32 v63, v14;
	v49 =	vld.idx.msk [tilespmem:v0+s28+$0xC0 ss:$0x1], $0xffff;
	v34 =	vmul.f32 v54, v18;
	v22 =	vmul.f32 v47, v18  }
0x14e: {  	v56 =	vld.idx.msk [tilespmem:v0+s28+$0x30 ss:$0x1], $0xffff;
	v12 =	vadd.f32 v59, v12;
	v28 =	vmul.f32 v58, v19;
	v32 =	vmul.f32 v60, v19  }
0x14f: {  	[tilespmem:$0x1FFE0] =	vst v1;
	v13 =	vadd.f32 v61, v13;
	v52 =	vmul.f32 v19, v62;
	v53 =	vmul.f32 v19, v40  }
0x150: {  	v1 =	vld.idx.msk [tilespmem:v0+s28+$0x20A0 ss:$0x1], $0xffff;
	v17 =	vadd.f32 v26, v17;
	v55 =	vmul.f32 v19, v41;
	v31 =	vmul.f32 v19, v46  }
0x151: {  	v15 =	vadd.f32 v3, v15;
	v3 =	vld.idx.msk [tilespmem:v0+s28+$0xB0 ss:$0x1], $0xffff;
	v50 =	vmul.f32 v47, v19;
	v51 =	vmul.f32 v54, v19  }
0x152: {  	v58 =	vld.idx.msk [tilespmem:v0+s28+$0x40 ss:$0x1], $0xffff;
	v63 =	vmul.f32 v36, v19;
	v61 =	vmul.f32 v49, v19;
	v25 =	vsub.f32 v28, v44  }
0x153: {  	v62 =	vld.idx.msk [tilespmem:v0+s28+$0xF0 ss:$0x1], $0xffff;
	v35 =	vmul.f32 v49, v18;
	v27 =	vadd.f32 v32, v45;
	v33 =	vadd.f32 v53, v33  }
0x154: {  	v49 =	vld.idx.msk [tilespmem:v0+s28+$0x4090 ss:$0x1], $0xffff;
	v32 =	vsub.f32 v55, v48;
	v53 =	vmul.f32 v56, v19;
	v21 =	vadd.f32 v31, v21  }
0x155: {  	v55 =	vld.idx.msk [tilespmem:v0+s28+$0xE0 ss:$0x1], $0xffff;
	v28 =	vmul.f32 v56, v18;
	v34 =	vsub.f32 v50, v34;
	v22 =	vadd.f32 v51, v22  }
0x156: {  	v44 =	vld.idx.msk [tilespmem:v0+s28+$0x70 ss:$0x1], $0xffff;
	v54 =	vmul.f32 v3, v19;
	v59 =	vmul.f32 v3, v18;
	v20 =	vsub.f32 v25, v42  }
0x157: {  	v47 =	vld.idx.msk [tilespmem:v0+s28+$0x4080 ss:$0x1], $0xffff;
	v23 =	vsub.f32 v27, v43;
	v27 =	vsub.f32 v52, v57;
	v60 =	vmul.f32 v58, v19  }
0x158: {  	v50 =	vld.idx.msk [tilespmem:v0+s28+$0x4020 ss:$0x1], $0xffff;
	v25 =	vmul.f32 v58, v18;
	v40 =	vsub.f32 v53, v59;
	v59 =	vmul.f32 v36, v18  }
0x159: {  	v52 =	vld.idx.msk [tilespmem:v0+s28+$0xD0 ss:$0x1], $0xffff;
	v1 =	vsub.f32 v22, v1;
	v20 =	vmul.f32 v20, v20;
	v23 =	vmul.f32 v23, v23  }
0x15a: {  	v28 =	vadd.f32 v54, v28;
	v43 =	vmul.f32 v62, v19;
	v48 =	vmul.f32 v49, v19  }
0x15b: {  	v51 =	vld.idx.msk [tilespmem:v0+s28+$0x40A0 ss:$0x1], $0xffff;
	v58 =	vmul.f32 v55, v19;
	v36 =	vmul.f32 v44, v19;
	v20 =	vadd.f32 v23, v20  }
0x15c: {  	v41 =	vmul.f32 v55, v18;
	v25 =	vadd.f32 v61, v25;
	v61 =	vmul.f32 v62, v18;
	v23 =	vld.idx.msk [tilespmem:v0+s28+$0x60 ss:$0x1], $0xffff  }
0x15d: {  	v53 =	vld.idx.msk [tilespmem:v0+s28+$0x40B0 ss:$0x1], $0xffff;
	v62 =	vmul.f32 v47, v19;
	v47 =	vmul.f32 v47, v18;
	v3 =	vshra.s32 v20, $0x1  }
0x15e: {  	v54 =	vld.idx.msk [tilespmem:v0+s28+$0x4040 ss:$0x1], $0xffff;
	v42 =	vmul.f32 v50, v19;
	v39 =	vmul.f32 v52, v18;
	v3 =	vsub.s32 $0x5F3759DF, v3  }
0x15f: {  	v35 =	vsub.f32 v60, v35;
	v56 =	vmul.f32 v52, v19;
	v52 =	vld.idx.msk [tilespmem:v0+s28+$0x4030 ss:$0x1], $0xffff;
	v3 =	vmul.f32 v3, v20  }
0x160: {  	v46 =	vmul.f32 v50, v18;
	v37 =	vsub.f32 v63, v39;
	v63 =	vmul.f32 v44, v18;
	v20 =	vld.idx.msk [tilespmem:v0+s28+$0x4000 ss:$0x1], $0xffff  }
0x161: {  	v57 =	vmul.f32 v23, v19;
	v23 =	vmul.f32 v23, v18;
	v3 =	vadd.f32 v3, v16;
	v16 =	vld.idx.msk [tilespmem:v0+s28+$0x4010 ss:$0x1], $0xffff  }
0x162: {  	v55 =	vld.idx.msk [tilespmem:v0+s28+$0x40C0 ss:$0x1], $0xffff;
	v36 =	vsub.f32 v36, v61;
	v39 =	vmul.f32 v49, v18;
	v49 =	vmul.f32 v51, v19  }
0x163: {  	v50 =	vmul.f32 v54, v19;
	v38 =	vadd.f32 v43, v63;
	v23 =	vadd.f32 v58, v23;
	v58 =	vld.idx.msk [tilespmem:v0+s28+$0x4060 ss:$0x1], $0xffff  }
0x164: {  	v61 =	vld.idx.msk [tilespmem:v0+s28+$0x2080 ss:$0x1], $0xffff;
	v46 =	vadd.f32 v49, v46;
	v49 =	vmul.f32 v54, v18;
	v43 =	vmul.f32 v52, v19  }
0x165: {  	v31 =	vadd.f32 v56, v59;
	v56 =	vld.idx.msk [tilespmem:v0+s28+$0x4050 ss:$0x1], $0xffff;
	v60 =	vmul.f32 v20, v19;
	v20 =	vmul.f32 v20, v18  }
0x166: {  	v41 =	vsub.f32 v57, v41;
	v57 =	vld.idx.msk [tilespmem:v0+s28+$0x40D0 ss:$0x1], $0xffff;
	v44 =	vmul.f32 v16, v19;
	v16 =	vmul.f32 v16, v18  }
0x167: {  	v59 =	vld.idx.msk [tilespmem:v0+s28+$0x40E0 ss:$0x1], $0xffff;
	v45 =	vsub.f32 v60, v47;
	v47 =	vmul.f32 v51, v18;
	v51 =	vmul.f32 v53, v19  }
0x168: {  	v63 =	vld.idx.msk [tilespmem:v0+s28+$0x2090 ss:$0x1], $0xffff;
	v20 =	vadd.f32 v62, v20;
	v54 =	vmul.f32 v58, v19;
	v39 =	vsub.f32 v44, v39  }
0x169: {  	v60 =	vld.idx.msk [tilespmem:v0+s28+$0x2000 ss:$0x1], $0xffff;
	v44 =	vmul.f32 v53, v18;
	v53 =	vmul.f32 v55, v19;
	v48 =	vadd.f32 v48, v16  }
0x16a: {  	v62 =	vld.idx.msk [tilespmem:v0+s28+$0x2010 ss:$0x1], $0xffff;
	v16 =	vmul.f32 v52, v18;
	v42 =	vsub.f32 v42, v47;
	v47 =	vmul.f32 v55, v18  }
0x16b: {  	v52 =	vmul.f32 v56, v19;
	v55 =	vmul.f32 v57, v19;
	v43 =	vsub.f32 v43, v44;
	v44 =	vld.idx.msk [tilespmem:v0+s28+$0x2020 ss:$0x1], $0xffff  }
0x16c: {  	v57 =	vmul.f32 v57, v18;
	v51 =	vadd.f32 v51, v16;
	v47 =	vsub.f32 v50, v47;
	v50 =	vld.idx.msk [tilespmem:v0+s28+$0x2030 ss:$0x1], $0xffff  }
0x16d: {  	v16 =	vmul.f32 v59, v19;
	v19 =	vmul.f32 v56, v18;
	v49 =	vadd.f32 v53, v49;
	v53 =	vld.idx.msk [tilespmem:v0+s28+$0x20B0 ss:$0x1], $0xffff  }
0x16e: {  	v21 =	vsub.f32 v21, v63;
	v56 =	vmul.f32 v59, v18;
	v18 =	vmul.f32 v58, v18;
	v58 =	vld.idx.msk [tilespmem:v0+s28+$0x2050 ss:$0x1], $0xffff  }
0x16f: {  	v30 =	vsub.s32 $0x5F3759DF, v30;
	v52 =	vsub.f32 v52, v57;
	v57 =	vsub.f32 v33, v61;
	v59 =	vld.idx.msk [tilespmem:v0+s28+$0x20D0 ss:$0x1], $0xffff  }
0x170: {  	v61 =	vld.idx.msk [tilespmem:v0+s28+$0x20E0 ss:$0x1], $0xffff;
	v27 =	vsub.f32 v27, v60;
	v18 =	vadd.f32 v16, v18;
	v16 =	vmul.f32 v30, v24  }
0x171: {  	v21 =	vmul.f32 v21, v21;
	v32 =	vsub.f32 v32, v62;
	v60 =	vld.idx.msk [tilespmem:v0+s28+$0x2060 ss:$0x1], $0xffff;
	v19 =	vadd.f32 v55, v19  }
0x172: {  	v62 =	vld.idx.msk [tilespmem:v0+s28+$0x2070 ss:$0x1], $0xffff;
	v54 =	vsub.f32 v54, v56;
	v30 =	vmul.f32 v57, v57;
	v2 =	vadd.f32 v16, v2  }
0x173: {  	v55 =	vld.idx.msk [tilespmem:v0+s28+$0x2040 ss:$0x1], $0xffff;
	v27 =	vmul.f32 v27, v27;
	v34 =	vsub.f32 v34, v44;
	v40 =	vsub.f32 v40, v50  }
0x174: {  	v56 =	vld.idx.msk [tilespmem:v0+s28+$0x20C0 ss:$0x1], $0xffff;
	v32 =	vmul.f32 v32, v32;
	v28 =	vsub.f32 v28, v53;
	v29 =	vsub.f32 v37, v58  }
0x175: {  	v63 =	vld.idx.msk [tilespmem:v0+s28+$0x20F0 ss:$0x1], $0xffff;
	v31 =	vsub.f32 v31, v59;
	v27 =	vadd.f32 v30, v27  }
0x176: {  	v57 =	vld.idx.msk [tilespmem:v0+s28+$0x6090 ss:$0x1], $0xffff;
	v21 =	vadd.f32 v21, v32;
	v23 =	vsub.f32 v23, v61  }
0x177: {  	v1 =	vmul.f32 v1, v1;
	v53 =	vld.idx.msk [tilespmem:v0+s28+$0x6000 ss:$0x1], $0xffff;
	v22 =	vsub.f32 v41, v60;
	v58 =	vsub.f32 v36, v62  }
0x178: {  	v59 =	vld.idx.msk [tilespmem:v0+s28+$0x6020 ss:$0x1], $0xffff;
	v35 =	vsub.f32 v35, v55;
	v34 =	vmul.f32 v34, v34;
	v40 =	vmul.f32 v40, v40  }
0x179: {  	v50 =	vld.idx.msk [tilespmem:v0+s28+$0x60C0 ss:$0x1], $0xffff;
	v24 =	vsub.f32 v25, v56;
	v28 =	vmul.f32 v28, v28;
	v29 =	vmul.f32 v29, v29  }
0x17a: {  	v60 =	vld.idx.msk [tilespmem:v0+s28+$0x60A0 ss:$0x1], $0xffff;
	v31 =	vmul.f32 v31, v31;
	v23 =	vmul.f32 v23, v23;
	v25 =	vsub.f32 v38, v63  }
0x17b: {  	v62 =	vld.idx.msk [tilespmem:v0+s28+$0x6030 ss:$0x1], $0xffff;
	v32 =	vsub.f32 v48, v57;
	v22 =	vmul.f32 v22, v22;
	v35 =	vmul.f32 v35, v35  }
0x17c: {  	v55 =	vld.idx.msk [tilespmem:v0+s28+$0x6080 ss:$0x1], $0xffff;
	v24 =	vmul.f32 v24, v24;
	v1 =	vadd.f32 v1, v34;
	v28 =	vadd.f32 v28, v40  }
0x17d: {  	v56 =	vld.idx.msk [tilespmem:v0+s28+$0x6010 ss:$0x1], $0xffff;
	v34 =	vmul.f32 v58, v58;
	v29 =	vadd.f32 v31, v29;
	v25 =	vmul.f32 v25, v25  }
0x17e: {  	v63 =	vld.idx.msk [tilespmem:v0+s28+$0x60B0 ss:$0x1], $0xffff;
	v58 =	vshra.s32 v21, $0x1;
	v61 =	vsub.f32 v45, v53;
	v22 =	vadd.f32 v23, v22  }
0x17f: {  	v57 =	vld.idx.msk [tilespmem:v0+s28+$0x60D0 ss:$0x1], $0xffff;
	v36 =	vsub.f32 v42, v59;
	v40 =	vsub.s32 $0x5F3759DF, v58;
	v24 =	vadd.f32 v24, v35  }
0x180: {  	v25 =	vadd.f32 v25, v34;
	v35 =	vshra.s32 v27, $0x1;
	v37 =	vsub.f32 v43, v62  }
0x181: {  	v34 =	vsub.f32 v49, v50;
	v62 =	vshra.s32 v28, $0x1;
	v21 =	vmul.f32 v40, v21  }
0x182: {  	v45 =	vld.idx.msk [tilespmem:v0+s28+$0x6040 ss:$0x1], $0xffff;
	v20 =	vsub.f32 v20, v55;
	v44 =	vmul.f32 v61, v61;
	v30 =	vsub.f32 v39, v56  }
0x183: {  	v53 =	vld.idx.msk [tilespmem:v0+s28+$0x6050 ss:$0x1], $0xffff;
	v55 =	vmul.f32 v32, v32;
	v56 =	vsub.f32 v46, v60;
	v36 =	vmul.f32 v36, v36  }
0x184: {  	v59 =	vld.idx.msk [tilespmem:v0+s28+$0x6060 ss:$0x1], $0xffff;
	v31 =	vsub.f32 v51, v63;
	v61 =	vshra.s32 v1, $0x1;
	v19 =	vsub.f32 v19, v57  }
0x185: {  	v0 =	vld.idx.msk [tilespmem:v0+s28+$0x60E0 ss:$0x1], $0xffff;
	v49 =	vshra.s32 v22, $0x1;
	v37 =	vmul.f32 v37, v37;
	v34 =	vmul.f32 v34, v34  }
0x186: {  	v63 =	vshra.s32 v24, $0x1;
	v50 =	vshra.s32 v25, $0x1;
	v20 =	vmul.f32 v20, v20  }
0x187: {  	v32 =	vsub.s32 $0x5F3759DF, v61;
	v30 =	vmul.f32 v30, v30;
	v60 =	vmul.f32 v56, v56  }
0x188: {  	v4 =	vadd.f32 v21, v4;
	v31 =	vmul.f32 v31, v31;
	v19 =	vmul.f32 v19, v19  }
0x189: {  	v38 =	vsub.s32 $0x5F3759DF, v50;
	v33 =	vsub.f32 v47, v45;
	v39 =	vsub.f32 v52, v53  }
0x18a: {  	v1 =	vmul.f32 v32, v1;
	v47 =	vsub.f32 v54, v59;
	v0 =	vsub.f32 v18, v0  }
0x18b: {  	v18 =	vshra.s32 v29, $0x1;
	v20 =	vadd.f32 v20, v44;
	v23 =	vadd.f32 v55, v30  }
0x18c: {  	v30 =	vadd.f32 v60, v36;
	v31 =	vadd.f32 v31, v37;
	v55 =	vsub.s32 $0x5F3759DF, v35  }
0x18d: {  	v36 =	vsub.s32 $0x5F3759DF, v62;
	v37 =	vsub.s32 $0x5F3759DF, v63;
	v60 =	vmul.f32 v38, v25  }
0x18e: {  	v18 =	vsub.s32 $0x5F3759DF, v18;
	v33 =	vmul.f32 v33, v33;
	v46 =	vmul.f32 v39, v39  }
0x18f: {  	v5 =	vadd.f32 v1, v5;
	v48 =	vmul.f32 v47, v47;
	v0 =	vmul.f32 v0, v0  }
0x190: {  	v16 =	vld [tilespmem:$0x1FFE0];
	v39 =	vsub.s32 $0x5F3759DF, v49;
	v27 =	vmul.f32 v55, v27;
	v59 =	vmul.f32 v36, v28  }
0x191: {  	v24 =	vmul.f32 v37, v24;
	v18 =	vmul.f32 v18, v29;
	v51 =	vshra.s32 v20, $0x1  }
0x192: {  	v52 =	vshra.s32 v23, $0x1;
	v53 =	vshra.s32 v30, $0x1;
	v54 =	vshra.s32 v31, $0x1  }
0x193: {  	v22 =	vmul.f32 v39, v22;
	v10 =	vadd.f32 v60, v10;
	v33 =	vadd.f32 v34, v33  }
0x194: {  	v19 =	vadd.f32 v19, v46;
	v0 =	vadd.f32 v0, v48;
	v41 =	vsub.s32 $0x5F3759DF, v51  }
0x195: {  	v42 =	vsub.s32 $0x5F3759DF, v52;
	v43 =	vsub.s32 $0x5F3759DF, v53;
	v16 =	vadd.f32 v27, v16  }
0x196: {  	v44 =	vsub.s32 $0x5F3759DF, v54;
	v6 =	vadd.f32 v59, v6;
	v7 =	vadd.f32 v24, v7  }
0x197: {  	v8 =	vadd.f32 v18, v8;
	v20 =	vmul.f32 v41, v20;
	v1 =	vmul.f32 v42, v23  }
0x198: {  	s26 =	sadd.s32 $0x1, s26;
	v61 =	vmul.f32 v43, v30;
	v62 =	vmul.f32 v44, v31;
	v9 =	vadd.f32 v22, v9  }
0x199: {  	p1 =	sne.s32 s26, $0x10;
	v56 =	vshra.s32 v33, $0x1;
	v57 =	vshra.s32 v19, $0x1;
	v58 =	vshra.s32 v0, $0x1  }
.Ltmp1:
0x19a: {  	v35 =	vsub.s32 $0x5F3759DF, v56;
	v45 =	vsub.s32 $0x5F3759DF, v57;
	v46 =	vsub.s32 $0x5F3759DF, v58;
	(pc) =	sbr.rel @p1 .LBB2_2-.Ltmp1, $4  }
0x19b: {  	v11 =	vadd.f32 v20, v11;
	v12 =	vadd.f32 v1, v12;
	v63 =	vmul.f32 v35, v33  }
0x19c: {  	v13 =	vadd.f32 v61, v13;
	v18 =	vmul.f32 v45, v19;
	v0 =	vmul.f32 v46, v0  }
0x19d: {  	v14 =	vadd.f32 v62, v14;
	v15 =	vadd.f32 v63, v15  }
0x19e: {  	s25 =	sadd.s32 $0x20, s25;
	p0 =	por !p0, !p0;
	v2 =	vadd.f32 v18, v2;
	v1 =	vadd.f32 v0, v17  }
0x19f: {  	[tilespmem:$0x10C00] =	vst v16  }
0x1a0: {  	[tilespmem:$0x10C10] =	vst v4  }
0x1a1: {  	[tilespmem:$0x10C20] =	vst v5  }
0x1a2: {  	[tilespmem:$0x10C30] =	vst v6  }
0x1a3: {  	[tilespmem:$0x10C40] =	vst v7  }
0x1a4: {  	[tilespmem:$0x10C50] =	vst v8  }
0x1a5: {  	[tilespmem:$0x10C60] =	vst v9  }
0x1a6: {  	[tilespmem:$0x10C70] =	vst v10  }
0x1a7: {  	[tilespmem:$0x10C80] =	vst v11  }
0x1a8: {  	[tilespmem:$0x10C90] =	vst v12  }
0x1a9: {  	[tilespmem:$0x10CA0] =	vst v13  }
0x1aa: {  	[tilespmem:$0x10CB0] =	vst v14  }
0x1ab: {  	[tilespmem:$0x10CC0] =	vst v15  }
0x1ac: {  	[tilespmem:$0x10CF0] =	vst v3  }
0x1ad: {  	[tilespmem:$0x10CD0] =	vst v2  }
0x1ae: {  	[tilespmem:$0x10CE0] =	vst v1  }
0x1af: {  	[hbm4b:s6+s3] =	stream.linear.scatter [tilespmem:s22], [sflag:$0x4], $0x80, $0x38;
	[tilespmem:$0x10D00] =	vst v63  }
0x1b0: {  	s24 =	sadd.s32 $0x1, s24;
	_ =	swait.ge [sflag:s12], $0x80  }
0x1b1: {  	p0 =	sne.s32 s24, s8;
	[sflag:s12] =	ssyncset.done $0x0  }
.Ltmp2:
0x1b2: {  	[sflag:s12] =	ssyncadd.s32 $0xFFFFFF80;
	(pc) =	sbr.rel @p0 .LBB2_1-.Ltmp2, $4  }
0x1b3: {  	[hbm4b:s7+s3] =	stream.linear.scatter [tilespmem:s23], [sflag:$0x4], $0x80, $0x38;
	[tilespmem:$0x10D00] =	vst v63  }
0x1b4: {  	_ =	swait.ge [sflag:s12], $0x80  }
0x1b5: {  	[sflag:s12] =	ssyncset.done $0x0  }
0x1b6: {  	[sflag:s12] =	ssyncadd.s32 $0xFFFFFF80  }
0x1b7: {  	_ =	sfence.sel $0x180000  }
0x1b8: {  	[bflag:$0x0] =	sbarrier.arrive $0xFFFF  }
0x1b9: {  	_ =	strace $0x90000047  }
0x1ba: {  	s0 =	stileid.u32;
	[bflag:$0x2] =	sbarrier.arrive $0xFFFF  }
0x1bb: {  	p0 =	sne.s32 s0, $0x0;
	s0 =	rddreg [dreg:$0x3]  }
0x1bc: {  	s0 =	sadd.s32 @!p0 $0x100000, s0  }
0x1bd: {  	[sflag:s0] =	ssyncadd.tile.s32 @!p0 $0x1;
	_ =	shalt  }
.Lfunc_end2:
_tile_overlayer_lowered:
.L_overlay_start_2:
0x1be: {  	(tag) =	ssettag $0x2  }
0x1bf: {  	s0 =	rddreg [dreg:$0x0];
	s2 =	stileid.u32  }
0x1c0: {  	s1 =	rddreg [dreg:$0x1];
	p0 =	sne.s32 s2, $0x0  }
0x1c1: {  	s3 =	rddreg [dreg:$0x2];
	[bflag:$0x3] =	sbarrier.arrive $0xFFFF;
	s2 =	simm.s32 @!p0 $0x1C04  }
0x1c2: {  	[timem:s3], [sflag:s2] =	dma.local @!p0 [hbm:s0], s1  }
0x1c3: {  	s0 =	simm.s32 @!p0 $0x4  }
0x1c4: {  	_ =	swait.ge @!p0 [sflag:s0], s1  }
0x1c5: {  	s1 =	ssub.s32 @!p0 $0x0, s1;
	[sflag:s0] =	ssyncset.done @!p0 $0x0  }
0x1c6: {  	[sflag:s0] =	ssyncadd.s32 @!p0 s1  }
0x1c7: {  	[bflag:$0x3] =	sbarrier.arrive $0xFFFF  }
0x1c8: {  	_ =	shalt  }

</sc_bundles>
